<compile_context>
chip_gen: v7x
topology: tpu7x:2x2x1
jax: 0.10.2.dev20260603
libtpu: 0.0.44.dev20260713+nightly
codegen_flags: <defaults>
</compile_context>

<pallas_src>
import functools

import jax
import jax.numpy as jnp
from jax import lax
from jax.experimental import pallas as pl
from jax.experimental.pallas import tpu as pltpu
from jax.experimental.pallas import tpu_sc as plsc

N_NODES = 10000
N_EDGES = 320000
D = 128

NC = 2
NS = 16
NW = NC * NS

CH = 128
NCHUNKS = N_EDGES // CH
NJ = (NCHUNKS + NW - 1) // NW

RPT = 632
NPAD = NS * RPT

DW = 16


def _mesh():
    return plsc.VectorSubcoreMesh(core_axis_name="c", subcore_axis_name="s")


@functools.partial(
    pl.kernel,
    out_type=jax.ShapeDtypeStruct((NC, NPAD, DW), jnp.float32),
    mesh=_mesh(),
    compiler_params=pltpu.CompilerParams(needs_layout_passes=False),
    scratch_types=[
        pltpu.VMEM((CH,), jnp.int32),
        pltpu.VMEM((CH,), jnp.float32),
        pltpu.VMEM((CH, DW), jnp.float32),
        pltpu.VMEM_SHARED((NPAD, DW), jnp.float32),
        pltpu.SemaphoreType.DMA,
    ],
)
def _sc_deg(dst_hbm, w_hbm, out_hbm, dstv, wv, rows, acc, sem):
    c = lax.axis_index("c")
    s = lax.axis_index("s")
    wid = s * NC + c

    def zrow(i, carry):
        rows[i, :] = jnp.zeros((DW,), jnp.float32)
        return carry

    lax.fori_loop(0, CH, zrow, 0)
    for k in range(4):
        pltpu.sync_copy(rows, acc.at[pl.ds(s * RPT + k * CH, CH)])
    pltpu.sync_copy(rows.at[pl.ds(0, RPT - 4 * CH)],
                    acc.at[pl.ds(s * RPT + 4 * CH, RPT - 4 * CH)])
    plsc.subcore_barrier()

    def chunk(j, carry):
        cid = wid + NW * j

        @pl.when(cid < NCHUNKS)
        def _():
            base = cid * CH
            pltpu.sync_copy(dst_hbm.at[pl.ds(base, CH)], dstv)
            pltpu.sync_copy(w_hbm.at[pl.ds(base, CH)], wv)

            def bcast(i, carry2):
                b = plsc.load_gather(wv, [jnp.full((16,), i, jnp.int32)])
                rows[i, :] = b
                return carry2

            lax.fori_loop(0, CH, bcast, 0)
            pltpu.sync_copy(rows, acc.at[dstv], add=True)

        return carry

    lax.fori_loop(0, NJ, chunk, 0)
    plsc.subcore_barrier()
    pltpu.sync_copy(acc.at[pl.ds(s * RPT, RPT)],
                    out_hbm.at[c, pl.ds(s * RPT, RPT)])


@functools.partial(
    pl.kernel,
    out_type=jax.ShapeDtypeStruct((NC, NPAD, D), jnp.float32),
    mesh=_mesh(),
    compiler_params=pltpu.CompilerParams(needs_layout_passes=False),
    scratch_types=[
        pltpu.VMEM((CH,), jnp.int32),
        pltpu.VMEM((CH,), jnp.int32),
        pltpu.VMEM((CH,), jnp.float32),
        pltpu.VMEM((CH, D), jnp.float32),
        pltpu.VMEM_SHARED((NPAD, D), jnp.float32),
        pltpu.SemaphoreType.DMA,
    ],
)
def _sc_seg(y_hbm, src_hbm, dst_hbm, w_hbm, out_hbm,
            srcv, dstv, wv, rows, acc, sem):
    c = lax.axis_index("c")
    s = lax.axis_index("s")
    wid = s * NC + c

    def zrow(i, carry):
        for g in range(D // 16):
            rows[i, pl.ds(16 * g, 16)] = jnp.zeros((16,), jnp.float32)
        return carry

    lax.fori_loop(0, CH, zrow, 0)
    for k in range(4):
        pltpu.sync_copy(rows, acc.at[pl.ds(s * RPT + k * CH, CH)])
    pltpu.sync_copy(rows.at[pl.ds(0, RPT - 4 * CH)],
                    acc.at[pl.ds(s * RPT + 4 * CH, RPT - 4 * CH)])
    plsc.subcore_barrier()

    def chunk(j, carry):
        cid = wid + NW * j

        @pl.when(cid < NCHUNKS)
        def _():
            base = cid * CH
            pltpu.sync_copy(src_hbm.at[pl.ds(base, CH)], srcv)
            pltpu.sync_copy(dst_hbm.at[pl.ds(base, CH)], dstv)
            pltpu.sync_copy(w_hbm.at[pl.ds(base, CH)], wv)
            pltpu.async_copy(y_hbm.at[srcv], rows, sem).wait()

            def scale(i, carry2):
                b = plsc.load_gather(wv, [jnp.full((16,), i, jnp.int32)])
                for g in range(D // 16):
                    rows[i, pl.ds(16 * g, 16)] = rows[i, pl.ds(16 * g, 16)] * b
                return carry2

            lax.fori_loop(0, CH, scale, 0)
            pltpu.sync_copy(rows, acc.at[dstv], add=True)

        return carry

    lax.fori_loop(0, NJ, chunk, 0)
    plsc.subcore_barrier()
    pltpu.sync_copy(acc.at[pl.ds(s * RPT, RPT)],
                    out_hbm.at[c, pl.ds(s * RPT, RPT)])


_RB = 1000
_GRID = N_NODES // _RB


def _dinv_block(degp):
    deg = degp[0, :, 0] + degp[1, :, 0] + 1.0
    return lax.rsqrt(deg)


def _tc_mm_scale_body(x_ref, w_ref, degp_ref, y_ref):
    dinv = _dinv_block(degp_ref[...])
    xw = jnp.dot(x_ref[...], w_ref[...], preferred_element_type=jnp.float32)
    y_ref[...] = dinv[:, None] * xw


def _tc_mm_scale(x, W, degp):
    return pl.pallas_call(
        _tc_mm_scale_body,
        grid=(_GRID,),
        in_specs=[
            pl.BlockSpec((_RB, D), lambda i: (i, 0)),
            pl.BlockSpec((D, D), lambda i: (0, 0)),
            pl.BlockSpec((NC, _RB, DW), lambda i: (0, i, 0)),
        ],
        out_specs=pl.BlockSpec((_RB, D), lambda i: (i, 0)),
        out_shape=jax.ShapeDtypeStruct((N_NODES, D), jnp.float32),
    )(x, W, degp)


def _tc_combine_mm_body(s_ref, y_ref, degp_ref, b_ref, w_ref, out_ref):
    dinv = _dinv_block(degp_ref[...])
    h = dinv[:, None] * (s_ref[0] + s_ref[1] + y_ref[...]) + b_ref[...][None, :]
    hw = jnp.dot(h, w_ref[...], preferred_element_type=jnp.float32)
    out_ref[...] = dinv[:, None] * hw


def _tc_combine_mm(s_part, y, degp, b, W):
    return pl.pallas_call(
        _tc_combine_mm_body,
        grid=(_GRID,),
        in_specs=[
            pl.BlockSpec((NC, _RB, D), lambda i: (0, i, 0)),
            pl.BlockSpec((_RB, D), lambda i: (i, 0)),
            pl.BlockSpec((NC, _RB, DW), lambda i: (0, i, 0)),
            pl.BlockSpec((D,), lambda i: (0,)),
            pl.BlockSpec((D, D), lambda i: (0, 0)),
        ],
        out_specs=pl.BlockSpec((_RB, D), lambda i: (i, 0)),
        out_shape=jax.ShapeDtypeStruct((N_NODES, D), jnp.float32),
    )(s_part, y, degp, b, W)


def _tc_combine_body(s_ref, y_ref, degp_ref, b_ref, out_ref):
    dinv = _dinv_block(degp_ref[...])
    out_ref[...] = (dinv[:, None] * (s_ref[0] + s_ref[1] + y_ref[...])
                    + b_ref[...][None, :])


def _tc_combine(s_part, y, degp, b):
    return pl.pallas_call(
        _tc_combine_body,
        grid=(_GRID,),
        in_specs=[
            pl.BlockSpec((NC, _RB, D), lambda i: (0, i, 0)),
            pl.BlockSpec((_RB, D), lambda i: (i, 0)),
            pl.BlockSpec((NC, _RB, DW), lambda i: (0, i, 0)),
            pl.BlockSpec((D,), lambda i: (0,)),
        ],
        out_specs=pl.BlockSpec((_RB, D), lambda i: (i, 0)),
        out_shape=jax.ShapeDtypeStruct((N_NODES, D), jnp.float32),
    )(s_part, y, degp, b)


def kernel(x, edge_index, edge_weight, W1, b1, W2, b2):
    src = edge_index[0]
    dst = edge_index[1]
    degp = _sc_deg(dst, edge_weight)
    y1 = _tc_mm_scale(x, W1, degp)
    s1 = _sc_seg(y1, src, dst, edge_weight)
    y2 = _tc_combine_mm(s1, y1, degp, b1, W2)
    s2 = _sc_seg(y2, src, dst, edge_weight)
    out = _tc_combine(s2, y2, degp, b2)
    return out

# --- scband reference (transcript-rebuilt; emitter-appended) ---
"""Pipeline reference for scband-combined-gnn-8177617732217 (READ-ONLY COPY).

The authoritative reference and input builder live on the scoring server;
editing this copy changes nothing except your own understanding.
"""

import jax, jax.numpy as jnp
import numpy as np

N_NODES = 10000
N_EDGES = 320000
D = 128


def setup_inputs(seed: int = 0) -> dict:
    key = jax.random.key(seed)
    k1, k2, k3, k4, k5 = jax.random.split(key, 5)
    x = jax.random.normal(k1, (N_NODES, D), dtype=jnp.float32)
    edge_index = jax.random.randint(k2, (2, N_EDGES), 0, N_NODES, dtype=jnp.int32)
    edge_weight = jax.random.uniform(k3, (N_EDGES,), dtype=jnp.float32)
    W1 = jax.random.normal(k4, (D, D), dtype=jnp.float32) / np.sqrt(D)
    b1 = jnp.zeros((D,), dtype=jnp.float32)
    W2 = jax.random.normal(k5, (D, D), dtype=jnp.float32) / np.sqrt(D)
    b2 = jnp.zeros((D,), dtype=jnp.float32)
    return {"x": x, "edge_index": edge_index, "edge_weight": edge_weight,
            "W1": W1, "b1": b1, "W2": W2, "b2": b2}


def _gcn_layer(x, edge_index, edge_weight, W, b):
    # GCNConv with edge weights and implicit self-loops (weight 1.0):
    # out = D^{-1/2} (A + I) D^{-1/2} X W + b
    src = edge_index[0]
    dst = edge_index[1]
    n = x.shape[0]
    xw = x @ W
    deg = jnp.zeros((n,), dtype=x.dtype).at[dst].add(edge_weight) + 1.0
    dinv = jax.lax.rsqrt(deg)
    norm = dinv[src] * edge_weight * dinv[dst]
    msgs = norm[:, None] * jnp.take(xw, src, axis=0)
    agg = jnp.zeros_like(xw).at[dst].add(msgs)
    out = agg + (dinv * dinv)[:, None] * xw + b
    return out


def reference(x, edge_index, edge_weight, W1, b1, W2, b2):
    # CombinedGNN with N=2 stacked conv layers (no nonlinearity between, per Sequential spec)
    h = _gcn_layer(x, edge_index, edge_weight, W1, b1)
    h = _gcn_layer(h, edge_index, edge_weight, W2, b2)
    return h

if __name__ == "__main__":
    import jax
    _d = setup_inputs()
    print(jax.jit(kernel)(*tuple(_d.values())))

</pallas_src>

<mosaic_0001>
#map = affine_map<(d0, d1) -> (0, 0)>
#map1 = affine_map<(d0, d1) -> (0)>
#map2 = affine_map<(d0, d1) -> (0, 0, 0)>
module attributes {stable_mosaic.version = 14 : i64} {
  func.func @_sc_seg(%arg0: i32, %arg1: i32, %arg2: memref<10000x128xf32, #tpu.memory_space<hbm>>, %arg3: memref<320000xi32, #tpu.memory_space<hbm>>, %arg4: memref<320000xi32, #tpu.memory_space<hbm>>, %arg5: memref<320000xf32, #tpu.memory_space<hbm>>, %arg6: memref<2x10112x128xf32, #tpu.memory_space<hbm>>, %arg7: memref<128xi32, #tpu.memory_space<vmem>>, %arg8: memref<128xi32, #tpu.memory_space<vmem>>, %arg9: memref<128xf32, #tpu.memory_space<vmem>>, %arg10: memref<128x128xf32, #tpu.memory_space<vmem>>, %arg11: memref<10112x128xf32, #tpu.memory_space<vmem_shared>>, %arg12: memref<!tpu.dma_semaphore, #tpu.memory_space<semaphore_mem>>) attributes {dimension_semantics = [#tpu.dimension_semantics<core_parallel>, #tpu.dimension_semantics<subcore_parallel>], iteration_bounds = array<i64: 2, 16>, scalar_prefetch = 0 : i64, scratch_operands = 6 : i64, tpu.core_type = #tpu.core_type<sc_vector_subcore>, window_params = [{transform_indices = #map}, {transform_indices = #map1}, {transform_indices = #map1}, {transform_indices = #map1}, {transform_indices = #map2}]} {
    %mul3A = arith.constant 2 : i32
    %mul3A_0 = arith.muli %arg1, %mul3A : i32
    %add3A = arith.addi %mul3A_0, %arg0 : i32
    %scan3A = arith.constant 0 : i32
    %scan3A_1 = arith.constant 0 : i32
    %scan3A_2 = arith.constant 128 : i32
    %scan3A_3 = arith.addi %scan3A_1, %scan3A_2 : i32
    %scan3A_4 = arith.constant 1 : i32
    scf.for %scan3A_37 = %scan3A_1 to %scan3A_3 step %scan3A_4  : i32 {
      %broadcast_in_dim3A = arith.constant 0.000000e+00 : f32
      %broadcast_in_dim3A_38 = vector.broadcast %broadcast_in_dim3A : f32 to vector<16xf32>
      %swap3A = arith.index_cast %scan3A_37 : i32 to index
      %swap3A_39 = arith.constant 0 : index
      %swap3A_40 = tpu.vector_load %arg10[%swap3A, %swap3A_39] {strides = array<i32>} : memref<128x128xf32, #tpu.memory_space<vmem>>, vector<16xf32>,
      tpu.vector_store %arg10[%swap3A, %swap3A_39], %broadcast_in_dim3A_38 {strides = array<i32>} : memref<128x128xf32, #tpu.memory_space<vmem>>, vector<16xf32>,
      %broadcast_in_dim3A_41 = arith.constant 0.000000e+00 : f32
      %broadcast_in_dim3A_42 = vector.broadcast %broadcast_in_dim3A_41 : f32 to vector<16xf32>
      %swap3A_43 = arith.index_cast %scan3A_37 : i32 to index
      %swap3A_44 = arith.constant 16 : index
      %swap3A_45 = tpu.vector_load %arg10[%swap3A_43, %swap3A_44] {strides = array<i32>} : memref<128x128xf32, #tpu.memory_space<vmem>>, vector<16xf32>,
      tpu.vector_store %arg10[%swap3A_43, %swap3A_44], %broadcast_in_dim3A_42 {strides = array<i32>} : memref<128x128xf32, #tpu.memory_space<vmem>>, vector<16xf32>,
      %broadcast_in_dim3A_46 = arith.constant 0.000000e+00 : f32
      %broadcast_in_dim3A_47 = vector.broadcast %broadcast_in_dim3A_46 : f32 to vector<16xf32>
      %swap3A_48 = arith.index_cast %scan3A_37 : i32 to index
      %swap3A_49 = arith.constant 32 : index
      %swap3A_50 = tpu.vector_load %arg10[%swap3A_48, %swap3A_49] {strides = array<i32>} : memref<128x128xf32, #tpu.memory_space<vmem>>, vector<16xf32>,
      tpu.vector_store %arg10[%swap3A_48, %swap3A_49], %broadcast_in_dim3A_47 {strides = array<i32>} : memref<128x128xf32, #tpu.memory_space<vmem>>, vector<16xf32>,
      %broadcast_in_dim3A_51 = arith.constant 0.000000e+00 : f32
      %broadcast_in_dim3A_52 = vector.broadcast %broadcast_in_dim3A_51 : f32 to vector<16xf32>
      %swap3A_53 = arith.index_cast %scan3A_37 : i32 to index
      %swap3A_54 = arith.constant 48 : index
      %swap3A_55 = tpu.vector_load %arg10[%swap3A_53, %swap3A_54] {strides = array<i32>} : memref<128x128xf32, #tpu.memory_space<vmem>>, vector<16xf32>,
      tpu.vector_store %arg10[%swap3A_53, %swap3A_54], %broadcast_in_dim3A_52 {strides = array<i32>} : memref<128x128xf32, #tpu.memory_space<vmem>>, vector<16xf32>,
      %broadcast_in_dim3A_56 = arith.constant 0.000000e+00 : f32
      %broadcast_in_dim3A_57 = vector.broadcast %broadcast_in_dim3A_56 : f32 to vector<16xf32>
      %swap3A_58 = arith.index_cast %scan3A_37 : i32 to index
      %swap3A_59 = arith.constant 64 : index
      %swap3A_60 = tpu.vector_load %arg10[%swap3A_58, %swap3A_59] {strides = array<i32>} : memref<128x128xf32, #tpu.memory_space<vmem>>, vector<16xf32>,
      tpu.vector_store %arg10[%swap3A_58, %swap3A_59], %broadcast_in_dim3A_57 {strides = array<i32>} : memref<128x128xf32, #tpu.memory_space<vmem>>, vector<16xf32>,
      %broadcast_in_dim3A_61 = arith.constant 0.000000e+00 : f32
      %broadcast_in_dim3A_62 = vector.broadcast %broadcast_in_dim3A_61 : f32 to vector<16xf32>
      %swap3A_63 = arith.index_cast %scan3A_37 : i32 to index
      %swap3A_64 = arith.constant 80 : index
      %swap3A_65 = tpu.vector_load %arg10[%swap3A_63, %swap3A_64] {strides = array<i32>} : memref<128x128xf32, #tpu.memory_space<vmem>>, vector<16xf32>,
      tpu.vector_store %arg10[%swap3A_63, %swap3A_64], %broadcast_in_dim3A_62 {strides = array<i32>} : memref<128x128xf32, #tpu.memory_space<vmem>>, vector<16xf32>,
      %broadcast_in_dim3A_66 = arith.constant 0.000000e+00 : f32
      %broadcast_in_dim3A_67 = vector.broadcast %broadcast_in_dim3A_66 : f32 to vector<16xf32>
      %swap3A_68 = arith.index_cast %scan3A_37 : i32 to index
      %swap3A_69 = arith.constant 96 : index
      %swap3A_70 = tpu.vector_load %arg10[%swap3A_68, %swap3A_69] {strides = array<i32>} : memref<128x128xf32, #tpu.memory_space<vmem>>, vector<16xf32>,
      tpu.vector_store %arg10[%swap3A_68, %swap3A_69], %broadcast_in_dim3A_67 {strides = array<i32>} : memref<128x128xf32, #tpu.memory_space<vmem>>, vector<16xf32>,
      %broadcast_in_dim3A_71 = arith.constant 0.000000e+00 : f32
      %broadcast_in_dim3A_72 = vector.broadcast %broadcast_in_dim3A_71 : f32 to vector<16xf32>
      %swap3A_73 = arith.index_cast %scan3A_37 : i32 to index
      %swap3A_74 = arith.constant 112 : index
      %swap3A_75 = tpu.vector_load %arg10[%swap3A_73, %swap3A_74] {strides = array<i32>} : memref<128x128xf32, #tpu.memory_space<vmem>>, vector<16xf32>,
      tpu.vector_store %arg10[%swap3A_73, %swap3A_74], %broadcast_in_dim3A_72 {strides = array<i32>} : memref<128x128xf32, #tpu.memory_space<vmem>>, vector<16xf32>,
    }
    %scan3A_5 = arith.constant 128 : i32
    %mul3A_6 = arith.constant 632 : i32
    %mul3A_7 = arith.muli %arg1, %mul3A_6 : i32
    %add3A_8 = arith.constant 0 : i32
    %add3A_9 = arith.addi %mul3A_7, %add3A_8 : i32
    "tpu.region"() ({
      %run_scoped3A = tpu.sem_alloc : memref<!tpu.dma_semaphore, #tpu.memory_space<semaphore_mem>>
      %dma_start3A = arith.constant 0 : i32
      %dma_start3A_37 = tpu.memref_slice %arg11[%add3A_9, %dma_start3A] : memref<10112x128xf32, #tpu.memory_space<vmem_shared>> -> memref<128x128xf32, #tpu.memory_space<vmem_shared>>
      %dma_start3A_38 = arith.constant 0 : i32
      %dma_start3A_39 = tpu.memref_slice %arg11[%add3A_9, %dma_start3A_38] : memref<10112x128xf32, #tpu.memory_space<vmem_shared>> -> memref<128x128xf32, #tpu.memory_space<vmem_shared>>
      tpu.enqueue_dma source(%arg10 : memref<128x128xf32, #tpu.memory_space<vmem>>) target(%dma_start3A_39 : memref<128x128xf32, #tpu.memory_space<vmem_shared>>) target_semaphore(%run_scoped3A : memref<!tpu.dma_semaphore, #tpu.memory_space<semaphore_mem>>)
      %dma_wait3A = arith.constant 0 : i32
      %dma_wait3A_40 = tpu.memref_slice %arg11[%add3A_9, %dma_wait3A] : memref<10112x128xf32, #tpu.memory_space<vmem_shared>> -> memref<128x128xf32, #tpu.memory_space<vmem_shared>>
      %dma_wait3A_41 = arith.constant 0 : i32
      %dma_wait3A_42 = tpu.memref_slice %arg11[%add3A_9, %dma_wait3A_41] : memref<10112x128xf32, #tpu.memory_space<vmem_shared>> -> memref<128x128xf32, #tpu.memory_space<vmem_shared>>
      tpu.wait_dma2 semaphore(%run_scoped3A : memref<!tpu.dma_semaphore, #tpu.memory_space<semaphore_mem>>) src(%arg10 : memref<128x128xf32, #tpu.memory_space<vmem>>) dst(%dma_wait3A_42 : memref<128x128xf32, #tpu.memory_space<vmem_shared>>)
      tpu.yield
    }) : () -> ()
    %mul3A_10 = arith.constant 632 : i32
    %mul3A_11 = arith.muli %arg1, %mul3A_10 : i32
    %add3A_12 = arith.constant 128 : i32
    %add3A_13 = arith.addi %mul3A_11, %add3A_12 : i32
    "tpu.region"() ({
      %run_scoped3A = tpu.sem_alloc : memref<!tpu.dma_semaphore, #tpu.memory_space<semaphore_mem>>
      %dma_start3A = arith.constant 0 : i32
      %dma_start3A_37 = tpu.memref_slice %arg11[%add3A_13, %dma_start3A] : memref<10112x128xf32, #tpu.memory_space<vmem_shared>> -> memref<128x128xf32, #tpu.memory_space<vmem_shared>>
      %dma_start3A_38 = arith.constant 0 : i32
      %dma_start3A_39 = tpu.memref_slice %arg11[%add3A_13, %dma_start3A_38] : memref<10112x128xf32, #tpu.memory_space<vmem_shared>> -> memref<128x128xf32, #tpu.memory_space<vmem_shared>>
      tpu.enqueue_dma source(%arg10 : memref<128x128xf32, #tpu.memory_space<vmem>>) target(%dma_start3A_39 : memref<128x128xf32, #tpu.memory_space<vmem_shared>>) target_semaphore(%run_scoped3A : memref<!tpu.dma_semaphore, #tpu.memory_space<semaphore_mem>>)
      %dma_wait3A = arith.constant 0 : i32
      %dma_wait3A_40 = tpu.memref_slice %arg11[%add3A_13, %dma_wait3A] : memref<10112x128xf32, #tpu.memory_space<vmem_shared>> -> memref<128x128xf32, #tpu.memory_space<vmem_shared>>
      %dma_wait3A_41 = arith.constant 0 : i32
      %dma_wait3A_42 = tpu.memref_slice %arg11[%add3A_13, %dma_wait3A_41] : memref<10112x128xf32, #tpu.memory_space<vmem_shared>> -> memref<128x128xf32, #tpu.memory_space<vmem_shared>>
      tpu.wait_dma2 semaphore(%run_scoped3A : memref<!tpu.dma_semaphore, #tpu.memory_space<semaphore_mem>>) src(%arg10 : memref<128x128xf32, #tpu.memory_space<vmem>>) dst(%dma_wait3A_42 : memref<128x128xf32, #tpu.memory_space<vmem_shared>>)
      tpu.yield
    }) : () -> ()
    %mul3A_14 = arith.constant 632 : i32
    %mul3A_15 = arith.muli %arg1, %mul3A_14 : i32
    %add3A_16 = arith.constant 256 : i32
    %add3A_17 = arith.addi %mul3A_15, %add3A_16 : i32
    "tpu.region"() ({
      %run_scoped3A = tpu.sem_alloc : memref<!tpu.dma_semaphore, #tpu.memory_space<semaphore_mem>>
      %dma_start3A = arith.constant 0 : i32
      %dma_start3A_37 = tpu.memref_slice %arg11[%add3A_17, %dma_start3A] : memref<10112x128xf32, #tpu.memory_space<vmem_shared>> -> memref<128x128xf32, #tpu.memory_space<vmem_shared>>
      %dma_start3A_38 = arith.constant 0 : i32
      %dma_start3A_39 = tpu.memref_slice %arg11[%add3A_17, %dma_start3A_38] : memref<10112x128xf32, #tpu.memory_space<vmem_shared>> -> memref<128x128xf32, #tpu.memory_space<vmem_shared>>
      tpu.enqueue_dma source(%arg10 : memref<128x128xf32, #tpu.memory_space<vmem>>) target(%dma_start3A_39 : memref<128x128xf32, #tpu.memory_space<vmem_shared>>) target_semaphore(%run_scoped3A : memref<!tpu.dma_semaphore, #tpu.memory_space<semaphore_mem>>)
      %dma_wait3A = arith.constant 0 : i32
      %dma_wait3A_40 = tpu.memref_slice %arg11[%add3A_17, %dma_wait3A] : memref<10112x128xf32, #tpu.memory_space<vmem_shared>> -> memref<128x128xf32, #tpu.memory_space<vmem_shared>>
      %dma_wait3A_41 = arith.constant 0 : i32
      %dma_wait3A_42 = tpu.memref_slice %arg11[%add3A_17, %dma_wait3A_41] : memref<10112x128xf32, #tpu.memory_space<vmem_shared>> -> memref<128x128xf32, #tpu.memory_space<vmem_shared>>
      tpu.wait_dma2 semaphore(%run_scoped3A : memref<!tpu.dma_semaphore, #tpu.memory_space<semaphore_mem>>) src(%arg10 : memref<128x128xf32, #tpu.memory_space<vmem>>) dst(%dma_wait3A_42 : memref<128x128xf32, #tpu.memory_space<vmem_shared>>)
      tpu.yield
    }) : () -> ()
    %mul3A_18 = arith.constant 632 : i32
    %mul3A_19 = arith.muli %arg1, %mul3A_18 : i32
    %add3A_20 = arith.constant 384 : i32
    %add3A_21 = arith.addi %mul3A_19, %add3A_20 : i32
    "tpu.region"() ({
      %run_scoped3A = tpu.sem_alloc : memref<!tpu.dma_semaphore, #tpu.memory_space<semaphore_mem>>
      %dma_start3A = arith.constant 0 : i32
      %dma_start3A_37 = tpu.memref_slice %arg11[%add3A_21, %dma_start3A] : memref<10112x128xf32, #tpu.memory_space<vmem_shared>> -> memref<128x128xf32, #tpu.memory_space<vmem_shared>>
      %dma_start3A_38 = arith.constant 0 : i32
      %dma_start3A_39 = tpu.memref_slice %arg11[%add3A_21, %dma_start3A_38] : memref<10112x128xf32, #tpu.memory_space<vmem_shared>> -> memref<128x128xf32, #tpu.memory_space<vmem_shared>>
      tpu.enqueue_dma source(%arg10 : memref<128x128xf32, #tpu.memory_space<vmem>>) target(%dma_start3A_39 : memref<128x128xf32, #tpu.memory_space<vmem_shared>>) target_semaphore(%run_scoped3A : memref<!tpu.dma_semaphore, #tpu.memory_space<semaphore_mem>>)
      %dma_wait3A = arith.constant 0 : i32
      %dma_wait3A_40 = tpu.memref_slice %arg11[%add3A_21, %dma_wait3A] : memref<10112x128xf32, #tpu.memory_space<vmem_shared>> -> memref<128x128xf32, #tpu.memory_space<vmem_shared>>
      %dma_wait3A_41 = arith.constant 0 : i32
      %dma_wait3A_42 = tpu.memref_slice %arg11[%add3A_21, %dma_wait3A_41] : memref<10112x128xf32, #tpu.memory_space<vmem_shared>> -> memref<128x128xf32, #tpu.memory_space<vmem_shared>>
      tpu.wait_dma2 semaphore(%run_scoped3A : memref<!tpu.dma_semaphore, #tpu.memory_space<semaphore_mem>>) src(%arg10 : memref<128x128xf32, #tpu.memory_space<vmem>>) dst(%dma_wait3A_42 : memref<128x128xf32, #tpu.memory_space<vmem_shared>>)
      tpu.yield
    }) : () -> ()
    %mul3A_22 = arith.constant 632 : i32
    %mul3A_23 = arith.muli %arg1, %mul3A_22 : i32
    %add3A_24 = arith.constant 512 : i32
    %add3A_25 = arith.addi %mul3A_23, %add3A_24 : i32
    "tpu.region"() ({
      %run_scoped3A = tpu.sem_alloc : memref<!tpu.dma_semaphore, #tpu.memory_space<semaphore_mem>>
      %dma_start3A = arith.constant 0 : i32
      %dma_start3A_37 = arith.constant 0 : i32
      %dma_start3A_38 = tpu.memref_slice %arg10[%dma_start3A, %dma_start3A_37] : memref<128x128xf32, #tpu.memory_space<vmem>> -> memref<120x128xf32, #tpu.memory_space<vmem>>
      %dma_start3A_39 = arith.constant 0 : i32
      %dma_start3A_40 = tpu.memref_slice %arg11[%add3A_25, %dma_start3A_39] : memref<10112x128xf32, #tpu.memory_space<vmem_shared>> -> memref<120x128xf32, #tpu.memory_space<vmem_shared>>
      %dma_start3A_41 = arith.constant 0 : i32
      %dma_start3A_42 = tpu.memref_slice %arg11[%add3A_25, %dma_start3A_41] : memref<10112x128xf32, #tpu.memory_space<vmem_shared>> -> memref<120x128xf32, #tpu.memory_space<vmem_shared>>
      %dma_start3A_43 = arith.constant 0 : i32
      %dma_start3A_44 = arith.constant 0 : i32
      %dma_start3A_45 = tpu.memref_slice %arg10[%dma_start3A_43, %dma_start3A_44] : memref<128x128xf32, #tpu.memory_space<vmem>> -> memref<120x128xf32, #tpu.memory_space<vmem>>
      tpu.enqueue_dma source(%dma_start3A_45 : memref<120x128xf32, #tpu.memory_space<vmem>>) target(%dma_start3A_42 : memref<120x128xf32, #tpu.memory_space<vmem_shared>>) target_semaphore(%run_scoped3A : memref<!tpu.dma_semaphore, #tpu.memory_space<semaphore_mem>>)
      %dma_wait3A = arith.constant 0 : i32
      %dma_wait3A_46 = arith.constant 0 : i32
      %dma_wait3A_47 = tpu.memref_slice %arg10[%dma_wait3A, %dma_wait3A_46] : memref<128x128xf32, #tpu.memory_space<vmem>> -> memref<120x128xf32, #tpu.memory_space<vmem>>
      %dma_wait3A_48 = arith.constant 0 : i32
      %dma_wait3A_49 = tpu.memref_slice %arg11[%add3A_25, %dma_wait3A_48] : memref<10112x128xf32, #tpu.memory_space<vmem_shared>> -> memref<120x128xf32, #tpu.memory_space<vmem_shared>>
      %dma_wait3A_50 = arith.constant 0 : i32
      %dma_wait3A_51 = tpu.memref_slice %arg11[%add3A_25, %dma_wait3A_50] : memref<10112x128xf32, #tpu.memory_space<vmem_shared>> -> memref<120x128xf32, #tpu.memory_space<vmem_shared>>
      %dma_wait3A_52 = arith.constant 0 : i32
      %dma_wait3A_53 = arith.constant 0 : i32
      %dma_wait3A_54 = tpu.memref_slice %arg10[%dma_wait3A_52, %dma_wait3A_53] : memref<128x128xf32, #tpu.memory_space<vmem>> -> memref<120x128xf32, #tpu.memory_space<vmem>>
      tpu.wait_dma2 semaphore(%run_scoped3A : memref<!tpu.dma_semaphore, #tpu.memory_space<semaphore_mem>>) src(%dma_wait3A_54 : memref<120x128xf32, #tpu.memory_space<vmem>>) dst(%dma_wait3A_51 : memref<120x128xf32, #tpu.memory_space<vmem_shared>>)
      tpu.yield
    }) : () -> ()
    %barrier3A = arith.constant 0 : index
    tpu.barrier barrier_id(%barrier3A)
    %scan3A_26 = arith.constant 0 : i32
    %scan3A_27 = arith.constant 0 : i32
    %scan3A_28 = arith.constant 79 : i32
    %scan3A_29 = arith.addi %scan3A_27, %scan3A_28 : i32
    %scan3A_30 = arith.constant 1 : i32
    scf.for %scan3A_37 = %scan3A_27 to %scan3A_29 step %scan3A_30  : i32 {
      %mul3A_38 = arith.constant 32 : i32
      %mul3A_39 = arith.muli %mul3A_38, %scan3A_37 : i32
      %add3A_40 = arith.addi %add3A, %mul3A_39 : i32
      %lt3A = arith.constant 2500 : i32
      %lt3A_41 = arith.cmpi slt, %add3A_40, %lt3A : i32
      %convert_element_type3A = arith.extui %lt3A_41 : i1 to i32
      %cond3A = arith.constant 0 : i32
      %cond3A_42 = arith.cmpi ne, %convert_element_type3A, %cond3A : i32
      scf.if %cond3A_42 {
        %mul3A_43 = arith.constant 128 : i32
        %mul3A_44 = arith.muli %add3A_40, %mul3A_43 : i32
        "tpu.region"() ({
          %run_scoped3A = tpu.sem_alloc : memref<!tpu.dma_semaphore, #tpu.memory_space<semaphore_mem>>
          %dma_start3A_55 = tpu.memref_slice %arg3[%mul3A_44] : memref<320000xi32, #tpu.memory_space<hbm>> -> memref<128xi32, #tpu.memory_space<hbm>>
          %dma_start3A_56 = tpu.memref_slice %arg3[%mul3A_44] : memref<320000xi32, #tpu.memory_space<hbm>> -> memref<128xi32, #tpu.memory_space<hbm>>
          tpu.enqueue_dma source(%dma_start3A_56 : memref<128xi32, #tpu.memory_space<hbm>>) target(%arg7 : memref<128xi32, #tpu.memory_space<vmem>>) target_semaphore(%run_scoped3A : memref<!tpu.dma_semaphore, #tpu.memory_space<semaphore_mem>>)
          %dma_wait3A_57 = tpu.memref_slice %arg3[%mul3A_44] : memref<320000xi32, #tpu.memory_space<hbm>> -> memref<128xi32, #tpu.memory_space<hbm>>
          %dma_wait3A_58 = tpu.memref_slice %arg3[%mul3A_44] : memref<320000xi32, #tpu.memory_space<hbm>> -> memref<128xi32, #tpu.memory_space<hbm>>
          tpu.wait_dma2 semaphore(%run_scoped3A : memref<!tpu.dma_semaphore, #tpu.memory_space<semaphore_mem>>) src(%dma_wait3A_58 : memref<128xi32, #tpu.memory_space<hbm>>) dst(%arg7 : memref<128xi32, #tpu.memory_space<vmem>>)
          tpu.yield
        }) : () -> ()
        "tpu.region"() ({
          %run_scoped3A = tpu.sem_alloc : memref<!tpu.dma_semaphore, #tpu.memory_space<semaphore_mem>>
          %dma_start3A_55 = tpu.memref_slice %arg4[%mul3A_44] : memref<320000xi32, #tpu.memory_space<hbm>> -> memref<128xi32, #tpu.memory_space<hbm>>
          %dma_start3A_56 = tpu.memref_slice %arg4[%mul3A_44] : memref<320000xi32, #tpu.memory_space<hbm>> -> memref<128xi32, #tpu.memory_space<hbm>>
          tpu.enqueue_dma source(%dma_start3A_56 : memref<128xi32, #tpu.memory_space<hbm>>) target(%arg8 : memref<128xi32, #tpu.memory_space<vmem>>) target_semaphore(%run_scoped3A : memref<!tpu.dma_semaphore, #tpu.memory_space<semaphore_mem>>)
          %dma_wait3A_57 = tpu.memref_slice %arg4[%mul3A_44] : memref<320000xi32, #tpu.memory_space<hbm>> -> memref<128xi32, #tpu.memory_space<hbm>>
          %dma_wait3A_58 = tpu.memref_slice %arg4[%mul3A_44] : memref<320000xi32, #tpu.memory_space<hbm>> -> memref<128xi32, #tpu.memory_space<hbm>>
          tpu.wait_dma2 semaphore(%run_scoped3A : memref<!tpu.dma_semaphore, #tpu.memory_space<semaphore_mem>>) src(%dma_wait3A_58 : memref<128xi32, #tpu.memory_space<hbm>>) dst(%arg8 : memref<128xi32, #tpu.memory_space<vmem>>)
          tpu.yield
        }) : () -> ()
        "tpu.region"() ({
          %run_scoped3A = tpu.sem_alloc : memref<!tpu.dma_semaphore, #tpu.memory_space<semaphore_mem>>
          %dma_start3A_55 = tpu.memref_slice %arg5[%mul3A_44] : memref<320000xf32, #tpu.memory_space<hbm>> -> memref<128xf32, #tpu.memory_space<hbm>>
          %dma_start3A_56 = tpu.memref_slice %arg5[%mul3A_44] : memref<320000xf32, #tpu.memory_space<hbm>> -> memref<128xf32, #tpu.memory_space<hbm>>
          tpu.enqueue_dma source(%dma_start3A_56 : memref<128xf32, #tpu.memory_space<hbm>>) target(%arg9 : memref<128xf32, #tpu.memory_space<vmem>>) target_semaphore(%run_scoped3A : memref<!tpu.dma_semaphore, #tpu.memory_space<semaphore_mem>>)
          %dma_wait3A_57 = tpu.memref_slice %arg5[%mul3A_44] : memref<320000xf32, #tpu.memory_space<hbm>> -> memref<128xf32, #tpu.memory_space<hbm>>
          %dma_wait3A_58 = tpu.memref_slice %arg5[%mul3A_44] : memref<320000xf32, #tpu.memory_space<hbm>> -> memref<128xf32, #tpu.memory_space<hbm>>
          tpu.wait_dma2 semaphore(%run_scoped3A : memref<!tpu.dma_semaphore, #tpu.memory_space<semaphore_mem>>) src(%dma_wait3A_58 : memref<128xf32, #tpu.memory_space<hbm>>) dst(%arg9 : memref<128xf32, #tpu.memory_space<vmem>>)
          tpu.yield
        }) : () -> ()
        %dma_start3A = arith.constant 0 : i32
        %dma_start3A_45 = arith.constant 0 : i32
        %dma_start3A_46 = tpu.memref_slice %arg2[%dma_start3A, %dma_start3A_45] : memref<10000x128xf32, #tpu.memory_space<hbm>> -> memref<10000x128xf32, #tpu.memory_space<hbm>>
        tpu.enqueue_indirect_dma source(%dma_start3A_46 : memref<10000x128xf32, #tpu.memory_space<hbm>>) target(%arg10 : memref<128x128xf32, #tpu.memory_space<vmem>>) offsets(%arg7 : memref<128xi32, #tpu.memory_space<vmem>>) semaphore(%arg12 : memref<!tpu.dma_semaphore, #tpu.memory_space<semaphore_mem>>)
        %dma_wait3A = arith.constant 0 : i32
        %dma_wait3A_47 = arith.constant 0 : i32
        %dma_wait3A_48 = tpu.memref_slice %arg2[%dma_wait3A, %dma_wait3A_47] : memref<10000x128xf32, #tpu.memory_space<hbm>> -> memref<10000x128xf32, #tpu.memory_space<hbm>>
        tpu.wait_indirect_dma semaphore(%arg12 : memref<!tpu.dma_semaphore, #tpu.memory_space<semaphore_mem>>) src(%dma_wait3A_48 : memref<10000x128xf32, #tpu.memory_space<hbm>>) dst(%arg10 : memref<128x128xf32, #tpu.memory_space<vmem>>)
        %scan3A_49 = arith.constant 0 : i32
        %scan3A_50 = arith.constant 0 : i32
        %scan3A_51 = arith.constant 128 : i32
        %scan3A_52 = arith.addi %scan3A_50, %scan3A_51 : i32
        %scan3A_53 = arith.constant 1 : i32
        scf.for %scan3A_55 = %scan3A_50 to %scan3A_52 step %scan3A_53  : i32 {
          %broadcast_in_dim3A = vector.broadcast %scan3A_55 : i32 to vector<16xi32>
          %gather3A = tpu.vector_load_idx %arg9[%broadcast_in_dim3A] : memref<128xf32, #tpu.memory_space<vmem>>[vector<16xi32>], vector<16xf32>,
          %get3A = arith.index_cast %scan3A_55 : i32 to index
          %get3A_56 = arith.constant 0 : index
          %get3A_57 = tpu.vector_load %arg10[%get3A, %get3A_56] {strides = array<i32>} : memref<128x128xf32, #tpu.memory_space<vmem>>, vector<16xf32>,
          %mul3A_58 = arith.mulf %get3A_57, %gather3A : vector<16xf32>
          %swap3A = arith.index_cast %scan3A_55 : i32 to index
          %swap3A_59 = arith.constant 0 : index
          %swap3A_60 = tpu.vector_load %arg10[%swap3A, %swap3A_59] {strides = array<i32>} : memref<128x128xf32, #tpu.memory_space<vmem>>, vector<16xf32>,
          tpu.vector_store %arg10[%swap3A, %swap3A_59], %mul3A_58 {strides = array<i32>} : memref<128x128xf32, #tpu.memory_space<vmem>>, vector<16xf32>,
          %get3A_61 = arith.index_cast %scan3A_55 : i32 to index
          %get3A_62 = arith.constant 16 : index
          %get3A_63 = tpu.vector_load %arg10[%get3A_61, %get3A_62] {strides = array<i32>} : memref<128x128xf32, #tpu.memory_space<vmem>>, vector<16xf32>,
          %mul3A_64 = arith.mulf %get3A_63, %gather3A : vector<16xf32>
          %swap3A_65 = arith.index_cast %scan3A_55 : i32 to index
          %swap3A_66 = arith.constant 16 : index
          %swap3A_67 = tpu.vector_load %arg10[%swap3A_65, %swap3A_66] {strides = array<i32>} : memref<128x128xf32, #tpu.memory_space<vmem>>, vector<16xf32>,
          tpu.vector_store %arg10[%swap3A_65, %swap3A_66], %mul3A_64 {strides = array<i32>} : memref<128x128xf32, #tpu.memory_space<vmem>>, vector<16xf32>,
          %get3A_68 = arith.index_cast %scan3A_55 : i32 to index
          %get3A_69 = arith.constant 32 : index
          %get3A_70 = tpu.vector_load %arg10[%get3A_68, %get3A_69] {strides = array<i32>} : memref<128x128xf32, #tpu.memory_space<vmem>>, vector<16xf32>,
          %mul3A_71 = arith.mulf %get3A_70, %gather3A : vector<16xf32>
          %swap3A_72 = arith.index_cast %scan3A_55 : i32 to index
          %swap3A_73 = arith.constant 32 : index
          %swap3A_74 = tpu.vector_load %arg10[%swap3A_72, %swap3A_73] {strides = array<i32>} : memref<128x128xf32, #tpu.memory_space<vmem>>, vector<16xf32>,
          tpu.vector_store %arg10[%swap3A_72, %swap3A_73], %mul3A_71 {strides = array<i32>} : memref<128x128xf32, #tpu.memory_space<vmem>>, vector<16xf32>,
          %get3A_75 = arith.index_cast %scan3A_55 : i32 to index
          %get3A_76 = arith.constant 48 : index
          %get3A_77 = tpu.vector_load %arg10[%get3A_75, %get3A_76] {strides = array<i32>} : memref<128x128xf32, #tpu.memory_space<vmem>>, vector<16xf32>,
          %mul3A_78 = arith.mulf %get3A_77, %gather3A : vector<16xf32>
          %swap3A_79 = arith.index_cast %scan3A_55 : i32 to index
          %swap3A_80 = arith.constant 48 : index
          %swap3A_81 = tpu.vector_load %arg10[%swap3A_79, %swap3A_80] {strides = array<i32>} : memref<128x128xf32, #tpu.memory_space<vmem>>, vector<16xf32>,
          tpu.vector_store %arg10[%swap3A_79, %swap3A_80], %mul3A_78 {strides = array<i32>} : memref<128x128xf32, #tpu.memory_space<vmem>>, vector<16xf32>,
          %get3A_82 = arith.index_cast %scan3A_55 : i32 to index
          %get3A_83 = arith.constant 64 : index
          %get3A_84 = tpu.vector_load %arg10[%get3A_82, %get3A_83] {strides = array<i32>} : memref<128x128xf32, #tpu.memory_space<vmem>>, vector<16xf32>,
          %mul3A_85 = arith.mulf %get3A_84, %gather3A : vector<16xf32>
          %swap3A_86 = arith.index_cast %scan3A_55 : i32 to index
          %swap3A_87 = arith.constant 64 : index
          %swap3A_88 = tpu.vector_load %arg10[%swap3A_86, %swap3A_87] {strides = array<i32>} : memref<128x128xf32, #tpu.memory_space<vmem>>, vector<16xf32>,
          tpu.vector_store %arg10[%swap3A_86, %swap3A_87], %mul3A_85 {strides = array<i32>} : memref<128x128xf32, #tpu.memory_space<vmem>>, vector<16xf32>,
          %get3A_89 = arith.index_cast %scan3A_55 : i32 to index
          %get3A_90 = arith.constant 80 : index
          %get3A_91 = tpu.vector_load %arg10[%get3A_89, %get3A_90] {strides = array<i32>} : memref<128x128xf32, #tpu.memory_space<vmem>>, vector<16xf32>,
          %mul3A_92 = arith.mulf %get3A_91, %gather3A : vector<16xf32>
          %swap3A_93 = arith.index_cast %scan3A_55 : i32 to index
          %swap3A_94 = arith.constant 80 : index
          %swap3A_95 = tpu.vector_load %arg10[%swap3A_93, %swap3A_94] {strides = array<i32>} : memref<128x128xf32, #tpu.memory_space<vmem>>, vector<16xf32>,
          tpu.vector_store %arg10[%swap3A_93, %swap3A_94], %mul3A_92 {strides = array<i32>} : memref<128x128xf32, #tpu.memory_space<vmem>>, vector<16xf32>,
          %get3A_96 = arith.index_cast %scan3A_55 : i32 to index
          %get3A_97 = arith.constant 96 : index
          %get3A_98 = tpu.vector_load %arg10[%get3A_96, %get3A_97] {strides = array<i32>} : memref<128x128xf32, #tpu.memory_space<vmem>>, vector<16xf32>,
          %mul3A_99 = arith.mulf %get3A_98, %gather3A : vector<16xf32>
          %swap3A_100 = arith.index_cast %scan3A_55 : i32 to index
          %swap3A_101 = arith.constant 96 : index
          %swap3A_102 = tpu.vector_load %arg10[%swap3A_100, %swap3A_101] {strides = array<i32>} : memref<128x128xf32, #tpu.memory_space<vmem>>, vector<16xf32>,
          tpu.vector_store %arg10[%swap3A_100, %swap3A_101], %mul3A_99 {strides = array<i32>} : memref<128x128xf32, #tpu.memory_space<vmem>>, vector<16xf32>,
          %get3A_103 = arith.index_cast %scan3A_55 : i32 to index
          %get3A_104 = arith.constant 112 : index
          %get3A_105 = tpu.vector_load %arg10[%get3A_103, %get3A_104] {strides = array<i32>} : memref<128x128xf32, #tpu.memory_space<vmem>>, vector<16xf32>,
          %mul3A_106 = arith.mulf %get3A_105, %gather3A : vector<16xf32>
          %swap3A_107 = arith.index_cast %scan3A_55 : i32 to index
          %swap3A_108 = arith.constant 112 : index
          %swap3A_109 = tpu.vector_load %arg10[%swap3A_107, %swap3A_108] {strides = array<i32>} : memref<128x128xf32, #tpu.memory_space<vmem>>, vector<16xf32>,
          tpu.vector_store %arg10[%swap3A_107, %swap3A_108], %mul3A_106 {strides = array<i32>} : memref<128x128xf32, #tpu.memory_space<vmem>>, vector<16xf32>,
        }
        %scan3A_54 = arith.constant 128 : i32
        "tpu.region"() ({
          %run_scoped3A = tpu.sem_alloc : memref<!tpu.dma_semaphore, #tpu.memory_space<semaphore_mem>>
          %dma_start3A_55 = arith.constant 0 : i32
          %dma_start3A_56 = arith.constant 0 : i32
          %dma_start3A_57 = tpu.memref_slice %arg11[%dma_start3A_55, %dma_start3A_56] : memref<10112x128xf32, #tpu.memory_space<vmem_shared>> -> memref<10112x128xf32, #tpu.memory_space<vmem_shared>>
          tpu.enqueue_indirect_dma source(%arg10 : memref<128x128xf32, #tpu.memory_space<vmem>>) target(%dma_start3A_57 : memref<10112x128xf32, #tpu.memory_space<vmem_shared>>) offsets(%arg8 : memref<128xi32, #tpu.memory_space<vmem>>) semaphore(%run_scoped3A : memref<!tpu.dma_semaphore, #tpu.memory_space<semaphore_mem>>) {add = true}
          %dma_wait3A_58 = arith.constant 0 : i32
          %dma_wait3A_59 = arith.constant 0 : i32
          %dma_wait3A_60 = tpu.memref_slice %arg11[%dma_wait3A_58, %dma_wait3A_59] : memref<10112x128xf32, #tpu.memory_space<vmem_shared>> -> memref<10112x128xf32, #tpu.memory_space<vmem_shared>>
          tpu.wait_indirect_dma semaphore(%run_scoped3A : memref<!tpu.dma_semaphore, #tpu.memory_space<semaphore_mem>>) src(%arg10 : memref<128x128xf32, #tpu.memory_space<vmem>>) dst(%dma_wait3A_60 : memref<10112x128xf32, #tpu.memory_space<vmem_shared>>)
          tpu.yield
        }) : () -> ()
      } else {
      }
    }
    %scan3A_31 = arith.constant 79 : i32
    %barrier3A_32 = arith.constant 0 : index
    tpu.barrier barrier_id(%barrier3A_32)
    %mul3A_33 = arith.constant 632 : i32
    %mul3A_34 = arith.muli %arg1, %mul3A_33 : i32
    %mul3A_35 = arith.constant 632 : i32
    %mul3A_36 = arith.muli %arg1, %mul3A_35 : i32
    "tpu.region"() ({
      %run_scoped3A = tpu.sem_alloc : memref<!tpu.dma_semaphore, #tpu.memory_space<semaphore_mem>>
      %dma_start3A = arith.constant 0 : i32
      %dma_start3A_37 = tpu.memref_slice %arg6[%arg0, %mul3A_36, %dma_start3A] : memref<2x10112x128xf32, #tpu.memory_space<hbm>> -> memref<1x632x128xf32, #tpu.memory_space<hbm>>
      %dma_start3A_38 = tpu.memref_squeeze %dma_start3A_37 : memref<1x632x128xf32, #tpu.memory_space<hbm>> -> memref<632x128xf32, #tpu.memory_space<hbm>>
      %dma_start3A_39 = arith.constant 0 : i32
      %dma_start3A_40 = tpu.memref_slice %arg11[%mul3A_34, %dma_start3A_39] : memref<10112x128xf32, #tpu.memory_space<vmem_shared>> -> memref<632x128xf32, #tpu.memory_space<vmem_shared>>
      tpu.enqueue_dma source(%dma_start3A_40 : memref<632x128xf32, #tpu.memory_space<vmem_shared>>) target(%dma_start3A_38 : memref<632x128xf32, #tpu.memory_space<hbm>>) target_semaphore(%run_scoped3A : memref<!tpu.dma_semaphore, #tpu.memory_space<semaphore_mem>>)
      %dma_wait3A = arith.constant 0 : i32
      %dma_wait3A_41 = tpu.memref_slice %arg6[%arg0, %mul3A_36, %dma_wait3A] : memref<2x10112x128xf32, #tpu.memory_space<hbm>> -> memref<1x632x128xf32, #tpu.memory_space<hbm>>
      %dma_wait3A_42 = tpu.memref_squeeze %dma_wait3A_41 : memref<1x632x128xf32, #tpu.memory_space<hbm>> -> memref<632x128xf32, #tpu.memory_space<hbm>>
      %dma_wait3A_43 = arith.constant 0 : i32
      %dma_wait3A_44 = tpu.memref_slice %arg11[%mul3A_34, %dma_wait3A_43] : memref<10112x128xf32, #tpu.memory_space<vmem_shared>> -> memref<632x128xf32, #tpu.memory_space<vmem_shared>>
      tpu.wait_dma2 semaphore(%run_scoped3A : memref<!tpu.dma_semaphore, #tpu.memory_space<semaphore_mem>>) src(%dma_wait3A_44 : memref<632x128xf32, #tpu.memory_space<vmem_shared>>) dst(%dma_wait3A_42 : memref<632x128xf32, #tpu.memory_space<hbm>>)
      tpu.yield
    }) : () -> ()
    return
  }
}

#map = affine_map<(d0, d1) -> (0, 0)>
#map1 = affine_map<(d0, d1) -> (0)>
#map2 = affine_map<(d0, d1) -> (0, 0, 0)>
module attributes {stable_mosaic.version = 14 : i64} {
  func.func @_sc_seg(%arg0: i32, %arg1: i32, %arg2: memref<10000x128xf32, #tpu.memory_space<hbm>>, %arg3: memref<320000xi32, #tpu.memory_space<hbm>>, %arg4: memref<320000xi32, #tpu.memory_space<hbm>>, %arg5: memref<320000xf32, #tpu.memory_space<hbm>>, %arg6: memref<2x10112x128xf32, #tpu.memory_space<hbm>>, %arg7: memref<128xi32, #tpu.memory_space<vmem>>, %arg8: memref<128xi32, #tpu.memory_space<vmem>>, %arg9: memref<128xf32, #tpu.memory_space<vmem>>, %arg10: memref<128x128xf32, #tpu.memory_space<vmem>>, %arg11: memref<10112x128xf32, #tpu.memory_space<vmem_shared>>, %arg12: memref<!tpu.dma_semaphore, #tpu.memory_space<semaphore_mem>>) attributes {dimension_semantics = [#tpu.dimension_semantics<core_parallel>, #tpu.dimension_semantics<subcore_parallel>], iteration_bounds = array<i64: 2, 16>, scalar_prefetch = 0 : i64, scratch_operands = 6 : i64, tpu.core_type = #tpu.core_type<sc_vector_subcore>, window_params = [{transform_indices = #map}, {transform_indices = #map1}, {transform_indices = #map1}, {transform_indices = #map1}, {transform_indices = #map2}]} {
    %mul3A = arith.constant 2 : i32
    %mul3A_0 = arith.muli %arg1, %mul3A : i32
    %add3A = arith.addi %mul3A_0, %arg0 : i32
    %scan3A = arith.constant 0 : i32
    %scan3A_1 = arith.constant 0 : i32
    %scan3A_2 = arith.constant 128 : i32
    %scan3A_3 = arith.addi %scan3A_1, %scan3A_2 : i32
    %scan3A_4 = arith.constant 1 : i32
    scf.for %scan3A_37 = %scan3A_1 to %scan3A_3 step %scan3A_4  : i32 {
      %broadcast_in_dim3A = arith.constant 0.000000e+00 : f32
      %broadcast_in_dim3A_38 = vector.broadcast %broadcast_in_dim3A : f32 to vector<16xf32>
      %swap3A = arith.index_cast %scan3A_37 : i32 to index
      %swap3A_39 = arith.constant 0 : index
      %swap3A_40 = tpu.vector_load %arg10[%swap3A, %swap3A_39] {strides = array<i32>} : memref<128x128xf32, #tpu.memory_space<vmem>>, vector<16xf32>,
      tpu.vector_store %arg10[%swap3A, %swap3A_39], %broadcast_in_dim3A_38 {strides = array<i32>} : memref<128x128xf32, #tpu.memory_space<vmem>>, vector<16xf32>,
      %broadcast_in_dim3A_41 = arith.constant 0.000000e+00 : f32
      %broadcast_in_dim3A_42 = vector.broadcast %broadcast_in_dim3A_41 : f32 to vector<16xf32>
      %swap3A_43 = arith.index_cast %scan3A_37 : i32 to index
      %swap3A_44 = arith.constant 16 : index
      %swap3A_45 = tpu.vector_load %arg10[%swap3A_43, %swap3A_44] {strides = array<i32>} : memref<128x128xf32, #tpu.memory_space<vmem>>, vector<16xf32>,
      tpu.vector_store %arg10[%swap3A_43, %swap3A_44], %broadcast_in_dim3A_42 {strides = array<i32>} : memref<128x128xf32, #tpu.memory_space<vmem>>, vector<16xf32>,
      %broadcast_in_dim3A_46 = arith.constant 0.000000e+00 : f32
      %broadcast_in_dim3A_47 = vector.broadcast %broadcast_in_dim3A_46 : f32 to vector<16xf32>
      %swap3A_48 = arith.index_cast %scan3A_37 : i32 to index
      %swap3A_49 = arith.constant 32 : index
      %swap3A_50 = tpu.vector_load %arg10[%swap3A_48, %swap3A_49] {strides = array<i32>} : memref<128x128xf32, #tpu.memory_space<vmem>>, vector<16xf32>,
      tpu.vector_store %arg10[%swap3A_48, %swap3A_49], %broadcast_in_dim3A_47 {strides = array<i32>} : memref<128x128xf32, #tpu.memory_space<vmem>>, vector<16xf32>,
      %broadcast_in_dim3A_51 = arith.constant 0.000000e+00 : f32
      %broadcast_in_dim3A_52 = vector.broadcast %broadcast_in_dim3A_51 : f32 to vector<16xf32>
      %swap3A_53 = arith.index_cast %scan3A_37 : i32 to index
      %swap3A_54 = arith.constant 48 : index
      %swap3A_55 = tpu.vector_load %arg10[%swap3A_53, %swap3A_54] {strides = array<i32>} : memref<128x128xf32, #tpu.memory_space<vmem>>, vector<16xf32>,
      tpu.vector_store %arg10[%swap3A_53, %swap3A_54], %broadcast_in_dim3A_52 {strides = array<i32>} : memref<128x128xf32, #tpu.memory_space<vmem>>, vector<16xf32>,
      %broadcast_in_dim3A_56 = arith.constant 0.000000e+00 : f32
      %broadcast_in_dim3A_57 = vector.broadcast %broadcast_in_dim3A_56 : f32 to vector<16xf32>
      %swap3A_58 = arith.index_cast %scan3A_37 : i32 to index
      %swap3A_59 = arith.constant 64 : index
      %swap3A_60 = tpu.vector_load %arg10[%swap3A_58, %swap3A_59] {strides = array<i32>} : memref<128x128xf32, #tpu.memory_space<vmem>>, vector<16xf32>,
      tpu.vector_store %arg10[%swap3A_58, %swap3A_59], %broadcast_in_dim3A_57 {strides = array<i32>} : memref<128x128xf32, #tpu.memory_space<vmem>>, vector<16xf32>,
      %broadcast_in_dim3A_61 = arith.constant 0.000000e+00 : f32
      %broadcast_in_dim3A_62 = vector.broadcast %broadcast_in_dim3A_61 : f32 to vector<16xf32>
      %swap3A_63 = arith.index_cast %scan3A_37 : i32 to index
      %swap3A_64 = arith.constant 80 : index
      %swap3A_65 = tpu.vector_load %arg10[%swap3A_63, %swap3A_64] {strides = array<i32>} : memref<128x128xf32, #tpu.memory_space<vmem>>, vector<16xf32>,
      tpu.vector_store %arg10[%swap3A_63, %swap3A_64], %broadcast_in_dim3A_62 {strides = array<i32>} : memref<128x128xf32, #tpu.memory_space<vmem>>, vector<16xf32>,
      %broadcast_in_dim3A_66 = arith.constant 0.000000e+00 : f32
      %broadcast_in_dim3A_67 = vector.broadcast %broadcast_in_dim3A_66 : f32 to vector<16xf32>
      %swap3A_68 = arith.index_cast %scan3A_37 : i32 to index
      %swap3A_69 = arith.constant 96 : index
      %swap3A_70 = tpu.vector_load %arg10[%swap3A_68, %swap3A_69] {strides = array<i32>} : memref<128x128xf32, #tpu.memory_space<vmem>>, vector<16xf32>,
      tpu.vector_store %arg10[%swap3A_68, %swap3A_69], %broadcast_in_dim3A_67 {strides = array<i32>} : memref<128x128xf32, #tpu.memory_space<vmem>>, vector<16xf32>,
      %broadcast_in_dim3A_71 = arith.constant 0.000000e+00 : f32
      %broadcast_in_dim3A_72 = vector.broadcast %broadcast_in_dim3A_71 : f32 to vector<16xf32>
      %swap3A_73 = arith.index_cast %scan3A_37 : i32 to index
      %swap3A_74 = arith.constant 112 : index
      %swap3A_75 = tpu.vector_load %arg10[%swap3A_73, %swap3A_74] {strides = array<i32>} : memref<128x128xf32, #tpu.memory_space<vmem>>, vector<16xf32>,
      tpu.vector_store %arg10[%swap3A_73, %swap3A_74], %broadcast_in_dim3A_72 {strides = array<i32>} : memref<128x128xf32, #tpu.memory_space<vmem>>, vector<16xf32>,
    }
    %scan3A_5 = arith.constant 128 : i32
    %mul3A_6 = arith.constant 632 : i32
    %mul3A_7 = arith.muli %arg1, %mul3A_6 : i32
    %add3A_8 = arith.constant 0 : i32
    %add3A_9 = arith.addi %mul3A_7, %add3A_8 : i32
    "tpu.region"() ({
      %run_scoped3A = tpu.sem_alloc : memref<!tpu.dma_semaphore, #tpu.memory_space<semaphore_mem>>
      %dma_start3A = arith.constant 0 : i32
      %dma_start3A_37 = tpu.memref_slice %arg11[%add3A_9, %dma_start3A] : memref<10112x128xf32, #tpu.memory_space<vmem_shared>> -> memref<128x128xf32, #tpu.memory_space<vmem_shared>>
      %dma_start3A_38 = arith.constant 0 : i32
      %dma_start3A_39 = tpu.memref_slice %arg11[%add3A_9, %dma_start3A_38] : memref<10112x128xf32, #tpu.memory_space<vmem_shared>> -> memref<128x128xf32, #tpu.memory_space<vmem_shared>>
      tpu.enqueue_dma source(%arg10 : memref<128x128xf32, #tpu.memory_space<vmem>>) target(%dma_start3A_39 : memref<128x128xf32, #tpu.memory_space<vmem_shared>>) target_semaphore(%run_scoped3A : memref<!tpu.dma_semaphore, #tpu.memory_space<semaphore_mem>>)
      %dma_wait3A = arith.constant 0 : i32
      %dma_wait3A_40 = tpu.memref_slice %arg11[%add3A_9, %dma_wait3A] : memref<10112x128xf32, #tpu.memory_space<vmem_shared>> -> memref<128x128xf32, #tpu.memory_space<vmem_shared>>
      %dma_wait3A_41 = arith.constant 0 : i32
      %dma_wait3A_42 = tpu.memref_slice %arg11[%add3A_9, %dma_wait3A_41] : memref<10112x128xf32, #tpu.memory_space<vmem_shared>> -> memref<128x128xf32, #tpu.memory_space<vmem_shared>>
      tpu.wait_dma2 semaphore(%run_scoped3A : memref<!tpu.dma_semaphore, #tpu.memory_space<semaphore_mem>>) src(%arg10 : memref<128x128xf32, #tpu.memory_space<vmem>>) dst(%dma_wait3A_42 : memref<128x128xf32, #tpu.memory_space<vmem_shared>>)
      tpu.yield
    }) : () -> ()
    %mul3A_10 = arith.constant 632 : i32
    %mul3A_11 = arith.muli %arg1, %mul3A_10 : i32
    %add3A_12 = arith.constant 128 : i32
    %add3A_13 = arith.addi %mul3A_11, %add3A_12 : i32
    "tpu.region"() ({
      %run_scoped3A = tpu.sem_alloc : memref<!tpu.dma_semaphore, #tpu.memory_space<semaphore_mem>>
      %dma_start3A = arith.constant 0 : i32
      %dma_start3A_37 = tpu.memref_slice %arg11[%add3A_13, %dma_start3A] : memref<10112x128xf32, #tpu.memory_space<vmem_shared>> -> memref<128x128xf32, #tpu.memory_space<vmem_shared>>
      %dma_start3A_38 = arith.constant 0 : i32
      %dma_start3A_39 = tpu.memref_slice %arg11[%add3A_13, %dma_start3A_38] : memref<10112x128xf32, #tpu.memory_space<vmem_shared>> -> memref<128x128xf32, #tpu.memory_space<vmem_shared>>
      tpu.enqueue_dma source(%arg10 : memref<128x128xf32, #tpu.memory_space<vmem>>) target(%dma_start3A_39 : memref<128x128xf32, #tpu.memory_space<vmem_shared>>) target_semaphore(%run_scoped3A : memref<!tpu.dma_semaphore, #tpu.memory_space<semaphore_mem>>)
      %dma_wait3A = arith.constant 0 : i32
      %dma_wait3A_40 = tpu.memref_slice %arg11[%add3A_13, %dma_wait3A] : memref<10112x128xf32, #tpu.memory_space<vmem_shared>> -> memref<128x128xf32, #tpu.memory_space<vmem_shared>>
      %dma_wait3A_41 = arith.constant 0 : i32
      %dma_wait3A_42 = tpu.memref_slice %arg11[%add3A_13, %dma_wait3A_41] : memref<10112x128xf32, #tpu.memory_space<vmem_shared>> -> memref<128x128xf32, #tpu.memory_space<vmem_shared>>
      tpu.wait_dma2 semaphore(%run_scoped3A : memref<!tpu.dma_semaphore, #tpu.memory_space<semaphore_mem>>) src(%arg10 : memref<128x128xf32, #tpu.memory_space<vmem>>) dst(%dma_wait3A_42 : memref<128x128xf32, #tpu.memory_space<vmem_shared>>)
      tpu.yield
    }) : () -> ()
    %mul3A_14 = arith.constant 632 : i32
    %mul3A_15 = arith.muli %arg1, %mul3A_14 : i32
    %add3A_16 = arith.constant 256 : i32
    %add3A_17 = arith.addi %mul3A_15, %add3A_16 : i32
    "tpu.region"() ({
      %run_scoped3A = tpu.sem_alloc : memref<!tpu.dma_semaphore, #tpu.memory_space<semaphore_mem>>
      %dma_start3A = arith.constant 0 : i32
      %dma_start3A_37 = tpu.memref_slice %arg11[%add3A_17, %dma_start3A] : memref<10112x128xf32, #tpu.memory_space<vmem_shared>> -> memref<128x128xf32, #tpu.memory_space<vmem_shared>>
      %dma_start3A_38 = arith.constant 0 : i32
      %dma_start3A_39 = tpu.memref_slice %arg11[%add3A_17, %dma_start3A_38] : memref<10112x128xf32, #tpu.memory_space<vmem_shared>> -> memref<128x128xf32, #tpu.memory_space<vmem_shared>>
      tpu.enqueue_dma source(%arg10 : memref<128x128xf32, #tpu.memory_space<vmem>>) target(%dma_start3A_39 : memref<128x128xf32, #tpu.memory_space<vmem_shared>>) target_semaphore(%run_scoped3A : memref<!tpu.dma_semaphore, #tpu.memory_space<semaphore_mem>>)
      %dma_wait3A = arith.constant 0 : i32
      %dma_wait3A_40 = tpu.memref_slice %arg11[%add3A_17, %dma_wait3A] : memref<10112x128xf32, #tpu.memory_space<vmem_shared>> -> memref<128x128xf32, #tpu.memory_space<vmem_shared>>
      %dma_wait3A_41 = arith.constant 0 : i32
      %dma_wait3A_42 = tpu.memref_slice %arg11[%add3A_17, %dma_wait3A_41] : memref<10112x128xf32, #tpu.memory_space<vmem_shared>> -> memref<128x128xf32, #tpu.memory_space<vmem_shared>>
      tpu.wait_dma2 semaphore(%run_scoped3A : memref<!tpu.dma_semaphore, #tpu.memory_space<semaphore_mem>>) src(%arg10 : memref<128x128xf32, #tpu.memory_space<vmem>>) dst(%dma_wait3A_42 : memref<128x128xf32, #tpu.memory_space<vmem_shared>>)
      tpu.yield
    }) : () -> ()
    %mul3A_18 = arith.constant 632 : i32
    %mul3A_19 = arith.muli %arg1, %mul3A_18 : i32
    %add3A_20 = arith.constant 384 : i32
    %add3A_21 = arith.addi %mul3A_19, %add3A_20 : i32
    "tpu.region"() ({
      %run_scoped3A = tpu.sem_alloc : memref<!tpu.dma_semaphore, #tpu.memory_space<semaphore_mem>>
      %dma_start3A = arith.constant 0 : i32
      %dma_start3A_37 = tpu.memref_slice %arg11[%add3A_21, %dma_start3A] : memref<10112x128xf32, #tpu.memory_space<vmem_shared>> -> memref<128x128xf32, #tpu.memory_space<vmem_shared>>
      %dma_start3A_38 = arith.constant 0 : i32
      %dma_start3A_39 = tpu.memref_slice %arg11[%add3A_21, %dma_start3A_38] : memref<10112x128xf32, #tpu.memory_space<vmem_shared>> -> memref<128x128xf32, #tpu.memory_space<vmem_shared>>
      tpu.enqueue_dma source(%arg10 : memref<128x128xf32, #tpu.memory_space<vmem>>) target(%dma_start3A_39 : memref<128x128xf32, #tpu.memory_space<vmem_shared>>) target_semaphore(%run_scoped3A : memref<!tpu.dma_semaphore, #tpu.memory_space<semaphore_mem>>)
      %dma_wait3A = arith.constant 0 : i32
      %dma_wait3A_40 = tpu.memref_slice %arg11[%add3A_21, %dma_wait3A] : memref<10112x128xf32, #tpu.memory_space<vmem_shared>> -> memref<128x128xf32, #tpu.memory_space<vmem_shared>>
      %dma_wait3A_41 = arith.constant 0 : i32
      %dma_wait3A_42 = tpu.memref_slice %arg11[%add3A_21, %dma_wait3A_41] : memref<10112x128xf32, #tpu.memory_space<vmem_shared>> -> memref<128x128xf32, #tpu.memory_space<vmem_shared>>
      tpu.wait_dma2 semaphore(%run_scoped3A : memref<!tpu.dma_semaphore, #tpu.memory_space<semaphore_mem>>) src(%arg10 : memref<128x128xf32, #tpu.memory_space<vmem>>) dst(%dma_wait3A_42 : memref<128x128xf32, #tpu.memory_space<vmem_shared>>)
      tpu.yield
    }) : () -> ()
    %mul3A_22 = arith.constant 632 : i32
    %mul3A_23 = arith.muli %arg1, %mul3A_22 : i32
    %add3A_24 = arith.constant 512 : i32
    %add3A_25 = arith.addi %mul3A_23, %add3A_24 : i32
    "tpu.region"() ({
      %run_scoped3A = tpu.sem_alloc : memref<!tpu.dma_semaphore, #tpu.memory_space<semaphore_mem>>
      %dma_start3A = arith.constant 0 : i32
      %dma_start3A_37 = arith.constant 0 : i32
      %dma_start3A_38 = tpu.memref_slice %arg10[%dma_start3A, %dma_start3A_37] : memref<128x128xf32, #tpu.memory_space<vmem>> -> memref<120x128xf32, #tpu.memory_space<vmem>>
      %dma_start3A_39 = arith.constant 0 : i32
      %dma_start3A_40 = tpu.memref_slice %arg11[%add3A_25, %dma_start3A_39] : memref<10112x128xf32, #tpu.memory_space<vmem_shared>> -> memref<120x128xf32, #tpu.memory_space<vmem_shared>>
      %dma_start3A_41 = arith.constant 0 : i32
      %dma_start3A_42 = tpu.memref_slice %arg11[%add3A_25, %dma_start3A_41] : memref<10112x128xf32, #tpu.memory_space<vmem_shared>> -> memref<120x128xf32, #tpu.memory_space<vmem_shared>>
      %dma_start3A_43 = arith.constant 0 : i32
      %dma_start3A_44 = arith.constant 0 : i32
      %dma_start3A_45 = tpu.memref_slice %arg10[%dma_start3A_43, %dma_start3A_44] : memref<128x128xf32, #tpu.memory_space<vmem>> -> memref<120x128xf32, #tpu.memory_space<vmem>>
      tpu.enqueue_dma source(%dma_start3A_45 : memref<120x128xf32, #tpu.memory_space<vmem>>) target(%dma_start3A_42 : memref<120x128xf32, #tpu.memory_space<vmem_shared>>) target_semaphore(%run_scoped3A : memref<!tpu.dma_semaphore, #tpu.memory_space<semaphore_mem>>)
      %dma_wait3A = arith.constant 0 : i32
      %dma_wait3A_46 = arith.constant 0 : i32
      %dma_wait3A_47 = tpu.memref_slice %arg10[%dma_wait3A, %dma_wait3A_46] : memref<128x128xf32, #tpu.memory_space<vmem>> -> memref<120x128xf32, #tpu.memory_space<vmem>>
      %dma_wait3A_48 = arith.constant 0 : i32
      %dma_wait3A_49 = tpu.memref_slice %arg11[%add3A_25, %dma_wait3A_48] : memref<10112x128xf32, #tpu.memory_space<vmem_shared>> -> memref<120x128xf32, #tpu.memory_space<vmem_shared>>
      %dma_wait3A_50 = arith.constant 0 : i32
      %dma_wait3A_51 = tpu.memref_slice %arg11[%add3A_25, %dma_wait3A_50] : memref<10112x128xf32, #tpu.memory_space<vmem_shared>> -> memref<120x128xf32, #tpu.memory_space<vmem_shared>>
      %dma_wait3A_52 = arith.constant 0 : i32
      %dma_wait3A_53 = arith.constant 0 : i32
      %dma_wait3A_54 = tpu.memref_slice %arg10[%dma_wait3A_52, %dma_wait3A_53] : memref<128x128xf32, #tpu.memory_space<vmem>> -> memref<120x128xf32, #tpu.memory_space<vmem>>
      tpu.wait_dma2 semaphore(%run_scoped3A : memref<!tpu.dma_semaphore, #tpu.memory_space<semaphore_mem>>) src(%dma_wait3A_54 : memref<120x128xf32, #tpu.memory_space<vmem>>) dst(%dma_wait3A_51 : memref<120x128xf32, #tpu.memory_space<vmem_shared>>)
      tpu.yield
    }) : () -> ()
    %barrier3A = arith.constant 0 : index
    tpu.barrier barrier_id(%barrier3A)
    %scan3A_26 = arith.constant 0 : i32
    %scan3A_27 = arith.constant 0 : i32
    %scan3A_28 = arith.constant 79 : i32
    %scan3A_29 = arith.addi %scan3A_27, %scan3A_28 : i32
    %scan3A_30 = arith.constant 1 : i32
    scf.for %scan3A_37 = %scan3A_27 to %scan3A_29 step %scan3A_30  : i32 {
      %mul3A_38 = arith.constant 32 : i32
      %mul3A_39 = arith.muli %mul3A_38, %scan3A_37 : i32
      %add3A_40 = arith.addi %add3A, %mul3A_39 : i32
      %lt3A = arith.constant 2500 : i32
      %lt3A_41 = arith.cmpi slt, %add3A_40, %lt3A : i32
      %convert_element_type3A = arith.extui %lt3A_41 : i1 to i32
      %cond3A = arith.constant 0 : i32
      %cond3A_42 = arith.cmpi ne, %convert_element_type3A, %cond3A : i32
      scf.if %cond3A_42 {
        %mul3A_43 = arith.constant 128 : i32
        %mul3A_44 = arith.muli %add3A_40, %mul3A_43 : i32
        "tpu.region"() ({
          %run_scoped3A = tpu.sem_alloc : memref<!tpu.dma_semaphore, #tpu.memory_space<semaphore_mem>>
          %dma_start3A_55 = tpu.memref_slice %arg3[%mul3A_44] : memref<320000xi32, #tpu.memory_space<hbm>> -> memref<128xi32, #tpu.memory_space<hbm>>
          %dma_start3A_56 = tpu.memref_slice %arg3[%mul3A_44] : memref<320000xi32, #tpu.memory_space<hbm>> -> memref<128xi32, #tpu.memory_space<hbm>>
          tpu.enqueue_dma source(%dma_start3A_56 : memref<128xi32, #tpu.memory_space<hbm>>) target(%arg7 : memref<128xi32, #tpu.memory_space<vmem>>) target_semaphore(%run_scoped3A : memref<!tpu.dma_semaphore, #tpu.memory_space<semaphore_mem>>)
          %dma_wait3A_57 = tpu.memref_slice %arg3[%mul3A_44] : memref<320000xi32, #tpu.memory_space<hbm>> -> memref<128xi32, #tpu.memory_space<hbm>>
          %dma_wait3A_58 = tpu.memref_slice %arg3[%mul3A_44] : memref<320000xi32, #tpu.memory_space<hbm>> -> memref<128xi32, #tpu.memory_space<hbm>>
          tpu.wait_dma2 semaphore(%run_scoped3A : memref<!tpu.dma_semaphore, #tpu.memory_space<semaphore_mem>>) src(%dma_wait3A_58 : memref<128xi32, #tpu.memory_space<hbm>>) dst(%arg7 : memref<128xi32, #tpu.memory_space<vmem>>)
          tpu.yield
        }) : () -> ()
        "tpu.region"() ({
          %run_scoped3A = tpu.sem_alloc : memref<!tpu.dma_semaphore, #tpu.memory_space<semaphore_mem>>
          %dma_start3A_55 = tpu.memref_slice %arg4[%mul3A_44] : memref<320000xi32, #tpu.memory_space<hbm>> -> memref<128xi32, #tpu.memory_space<hbm>>
          %dma_start3A_56 = tpu.memref_slice %arg4[%mul3A_44] : memref<320000xi32, #tpu.memory_space<hbm>> -> memref<128xi32, #tpu.memory_space<hbm>>
          tpu.enqueue_dma source(%dma_start3A_56 : memref<128xi32, #tpu.memory_space<hbm>>) target(%arg8 : memref<128xi32, #tpu.memory_space<vmem>>) target_semaphore(%run_scoped3A : memref<!tpu.dma_semaphore, #tpu.memory_space<semaphore_mem>>)
          %dma_wait3A_57 = tpu.memref_slice %arg4[%mul3A_44] : memref<320000xi32, #tpu.memory_space<hbm>> -> memref<128xi32, #tpu.memory_space<hbm>>
          %dma_wait3A_58 = tpu.memref_slice %arg4[%mul3A_44] : memref<320000xi32, #tpu.memory_space<hbm>> -> memref<128xi32, #tpu.memory_space<hbm>>
          tpu.wait_dma2 semaphore(%run_scoped3A : memref<!tpu.dma_semaphore, #tpu.memory_space<semaphore_mem>>) src(%dma_wait3A_58 : memref<128xi32, #tpu.memory_space<hbm>>) dst(%arg8 : memref<128xi32, #tpu.memory_space<vmem>>)
          tpu.yield
        }) : () -> ()
        "tpu.region"() ({
          %run_scoped3A = tpu.sem_alloc : memref<!tpu.dma_semaphore, #tpu.memory_space<semaphore_mem>>
          %dma_start3A_55 = tpu.memref_slice %arg5[%mul3A_44] : memref<320000xf32, #tpu.memory_space<hbm>> -> memref<128xf32, #tpu.memory_space<hbm>>
          %dma_start3A_56 = tpu.memref_slice %arg5[%mul3A_44] : memref<320000xf32, #tpu.memory_space<hbm>> -> memref<128xf32, #tpu.memory_space<hbm>>
          tpu.enqueue_dma source(%dma_start3A_56 : memref<128xf32, #tpu.memory_space<hbm>>) target(%arg9 : memref<128xf32, #tpu.memory_space<vmem>>) target_semaphore(%run_scoped3A : memref<!tpu.dma_semaphore, #tpu.memory_space<semaphore_mem>>)
          %dma_wait3A_57 = tpu.memref_slice %arg5[%mul3A_44] : memref<320000xf32, #tpu.memory_space<hbm>> -> memref<128xf32, #tpu.memory_space<hbm>>
          %dma_wait3A_58 = tpu.memref_slice %arg5[%mul3A_44] : memref<320000xf32, #tpu.memory_space<hbm>> -> memref<128xf32, #tpu.memory_space<hbm>>
          tpu.wait_dma2 semaphore(%run_scoped3A : memref<!tpu.dma_semaphore, #tpu.memory_space<semaphore_mem>>) src(%dma_wait3A_58 : memref<128xf32, #tpu.memory_space<hbm>>) dst(%arg9 : memref<128xf32, #tpu.memory_space<vmem>>)
          tpu.yield
        }) : () -> ()
        %dma_start3A = arith.constant 0 : i32
        %dma_start3A_45 = arith.constant 0 : i32
        %dma_start3A_46 = tpu.memref_slice %arg2[%dma_start3A, %dma_start3A_45] : memref<10000x128xf32, #tpu.memory_space<hbm>> -> memref<10000x128xf32, #tpu.memory_space<hbm>>
        tpu.enqueue_indirect_dma source(%dma_start3A_46 : memref<10000x128xf32, #tpu.memory_space<hbm>>) target(%arg10 : memref<128x128xf32, #tpu.memory_space<vmem>>) offsets(%arg7 : memref<128xi32, #tpu.memory_space<vmem>>) semaphore(%arg12 : memref<!tpu.dma_semaphore, #tpu.memory_space<semaphore_mem>>)
        %dma_wait3A = arith.constant 0 : i32
        %dma_wait3A_47 = arith.constant 0 : i32
        %dma_wait3A_48 = tpu.memref_slice %arg2[%dma_wait3A, %dma_wait3A_47] : memref<10000x128xf32, #tpu.memory_space<hbm>> -> memref<10000x128xf32, #tpu.memory_space<hbm>>
        tpu.wait_indirect_dma semaphore(%arg12 : memref<!tpu.dma_semaphore, #tpu.memory_space<semaphore_mem>>) src(%dma_wait3A_48 : memref<10000x128xf32, #tpu.memory_space<hbm>>) dst(%arg10 : memref<128x128xf32, #tpu.memory_space<vmem>>)
        %scan3A_49 = arith.constant 0 : i32
        %scan3A_50 = arith.constant 0 : i32
        %scan3A_51 = arith.constant 128 : i32
        %scan3A_52 = arith.addi %scan3A_50, %scan3A_51 : i32
        %scan3A_53 = arith.constant 1 : i32
        scf.for %scan3A_55 = %scan3A_50 to %scan3A_52 step %scan3A_53  : i32 {
          %broadcast_in_dim3A = vector.broadcast %scan3A_55 : i32 to vector<16xi32>
          %gather3A = tpu.vector_load_idx %arg9[%broadcast_in_dim3A] : memref<128xf32, #tpu.memory_space<vmem>>[vector<16xi32>], vector<16xf32>,
          %get3A = arith.index_cast %scan3A_55 : i32 to index
          %get3A_56 = arith.constant 0 : index
          %get3A_57 = tpu.vector_load %arg10[%get3A, %get3A_56] {strides = array<i32>} : memref<128x128xf32, #tpu.memory_space<vmem>>, vector<16xf32>,
          %mul3A_58 = arith.mulf %get3A_57, %gather3A : vector<16xf32>
          %swap3A = arith.index_cast %scan3A_55 : i32 to index
          %swap3A_59 = arith.constant 0 : index
          %swap3A_60 = tpu.vector_load %arg10[%swap3A, %swap3A_59] {strides = array<i32>} : memref<128x128xf32, #tpu.memory_space<vmem>>, vector<16xf32>,
          tpu.vector_store %arg10[%swap3A, %swap3A_59], %mul3A_58 {strides = array<i32>} : memref<128x128xf32, #tpu.memory_space<vmem>>, vector<16xf32>,
          %get3A_61 = arith.index_cast %scan3A_55 : i32 to index
          %get3A_62 = arith.constant 16 : index
          %get3A_63 = tpu.vector_load %arg10[%get3A_61, %get3A_62] {strides = array<i32>} : memref<128x128xf32, #tpu.memory_space<vmem>>, vector<16xf32>,
          %mul3A_64 = arith.mulf %get3A_63, %gather3A : vector<16xf32>
          %swap3A_65 = arith.index_cast %scan3A_55 : i32 to index
          %swap3A_66 = arith.constant 16 : index
          %swap3A_67 = tpu.vector_load %arg10[%swap3A_65, %swap3A_66] {strides = array<i32>} : memref<128x128xf32, #tpu.memory_space<vmem>>, vector<16xf32>,
          tpu.vector_store %arg10[%swap3A_65, %swap3A_66], %mul3A_64 {strides = array<i32>} : memref<128x128xf32, #tpu.memory_space<vmem>>, vector<16xf32>,
          %get3A_68 = arith.index_cast %scan3A_55 : i32 to index
          %get3A_69 = arith.constant 32 : index
          %get3A_70 = tpu.vector_load %arg10[%get3A_68, %get3A_69] {strides = array<i32>} : memref<128x128xf32, #tpu.memory_space<vmem>>, vector<16xf32>,
          %mul3A_71 = arith.mulf %get3A_70, %gather3A : vector<16xf32>
          %swap3A_72 = arith.index_cast %scan3A_55 : i32 to index
          %swap3A_73 = arith.constant 32 : index
          %swap3A_74 = tpu.vector_load %arg10[%swap3A_72, %swap3A_73] {strides = array<i32>} : memref<128x128xf32, #tpu.memory_space<vmem>>, vector<16xf32>,
          tpu.vector_store %arg10[%swap3A_72, %swap3A_73], %mul3A_71 {strides = array<i32>} : memref<128x128xf32, #tpu.memory_space<vmem>>, vector<16xf32>,
          %get3A_75 = arith.index_cast %scan3A_55 : i32 to index
          %get3A_76 = arith.constant 48 : index
          %get3A_77 = tpu.vector_load %arg10[%get3A_75, %get3A_76] {strides = array<i32>} : memref<128x128xf32, #tpu.memory_space<vmem>>, vector<16xf32>,
          %mul3A_78 = arith.mulf %get3A_77, %gather3A : vector<16xf32>
          %swap3A_79 = arith.index_cast %scan3A_55 : i32 to index
          %swap3A_80 = arith.constant 48 : index
          %swap3A_81 = tpu.vector_load %arg10[%swap3A_79, %swap3A_80] {strides = array<i32>} : memref<128x128xf32, #tpu.memory_space<vmem>>, vector<16xf32>,
          tpu.vector_store %arg10[%swap3A_79, %swap3A_80], %mul3A_78 {strides = array<i32>} : memref<128x128xf32, #tpu.memory_space<vmem>>, vector<16xf32>,
          %get3A_82 = arith.index_cast %scan3A_55 : i32 to index
          %get3A_83 = arith.constant 64 : index
          %get3A_84 = tpu.vector_load %arg10[%get3A_82, %get3A_83] {strides = array<i32>} : memref<128x128xf32, #tpu.memory_space<vmem>>, vector<16xf32>,
          %mul3A_85 = arith.mulf %get3A_84, %gather3A : vector<16xf32>
          %swap3A_86 = arith.index_cast %scan3A_55 : i32 to index
          %swap3A_87 = arith.constant 64 : index
          %swap3A_88 = tpu.vector_load %arg10[%swap3A_86, %swap3A_87] {strides = array<i32>} : memref<128x128xf32, #tpu.memory_space<vmem>>, vector<16xf32>,
          tpu.vector_store %arg10[%swap3A_86, %swap3A_87], %mul3A_85 {strides = array<i32>} : memref<128x128xf32, #tpu.memory_space<vmem>>, vector<16xf32>,
          %get3A_89 = arith.index_cast %scan3A_55 : i32 to index
          %get3A_90 = arith.constant 80 : index
          %get3A_91 = tpu.vector_load %arg10[%get3A_89, %get3A_90] {strides = array<i32>} : memref<128x128xf32, #tpu.memory_space<vmem>>, vector<16xf32>,
          %mul3A_92 = arith.mulf %get3A_91, %gather3A : vector<16xf32>
          %swap3A_93 = arith.index_cast %scan3A_55 : i32 to index
          %swap3A_94 = arith.constant 80 : index
          %swap3A_95 = tpu.vector_load %arg10[%swap3A_93, %swap3A_94] {strides = array<i32>} : memref<128x128xf32, #tpu.memory_space<vmem>>, vector<16xf32>,
          tpu.vector_store %arg10[%swap3A_93, %swap3A_94], %mul3A_92 {strides = array<i32>} : memref<128x128xf32, #tpu.memory_space<vmem>>, vector<16xf32>,
          %get3A_96 = arith.index_cast %scan3A_55 : i32 to index
          %get3A_97 = arith.constant 96 : index
          %get3A_98 = tpu.vector_load %arg10[%get3A_96, %get3A_97] {strides = array<i32>} : memref<128x128xf32, #tpu.memory_space<vmem>>, vector<16xf32>,
          %mul3A_99 = arith.mulf %get3A_98, %gather3A : vector<16xf32>
          %swap3A_100 = arith.index_cast %scan3A_55 : i32 to index
          %swap3A_101 = arith.constant 96 : index
          %swap3A_102 = tpu.vector_load %arg10[%swap3A_100, %swap3A_101] {strides = array<i32>} : memref<128x128xf32, #tpu.memory_space<vmem>>, vector<16xf32>,
          tpu.vector_store %arg10[%swap3A_100, %swap3A_101], %mul3A_99 {strides = array<i32>} : memref<128x128xf32, #tpu.memory_space<vmem>>, vector<16xf32>,
          %get3A_103 = arith.index_cast %scan3A_55 : i32 to index
          %get3A_104 = arith.constant 112 : index
          %get3A_105 = tpu.vector_load %arg10[%get3A_103, %get3A_104] {strides = array<i32>} : memref<128x128xf32, #tpu.memory_space<vmem>>, vector<16xf32>,
          %mul3A_106 = arith.mulf %get3A_105, %gather3A : vector<16xf32>
          %swap3A_107 = arith.index_cast %scan3A_55 : i32 to index
          %swap3A_108 = arith.constant 112 : index
          %swap3A_109 = tpu.vector_load %arg10[%swap3A_107, %swap3A_108] {strides = array<i32>} : memref<128x128xf32, #tpu.memory_space<vmem>>, vector<16xf32>,
          tpu.vector_store %arg10[%swap3A_107, %swap3A_108], %mul3A_106 {strides = array<i32>} : memref<128x128xf32, #tpu.memory_space<vmem>>, vector<16xf32>,
        }
        %scan3A_54 = arith.constant 128 : i32
        "tpu.region"() ({
          %run_scoped3A = tpu.sem_alloc : memref<!tpu.dma_semaphore, #tpu.memory_space<semaphore_mem>>
          %dma_start3A_55 = arith.constant 0 : i32
          %dma_start3A_56 = arith.constant 0 : i32
          %dma_start3A_57 = tpu.memref_slice %arg11[%dma_start3A_55, %dma_start3A_56] : memref<10112x128xf32, #tpu.memory_space<vmem_shared>> -> memref<10112x128xf32, #tpu.memory_space<vmem_shared>>
          tpu.enqueue_indirect_dma source(%arg10 : memref<128x128xf32, #tpu.memory_space<vmem>>) target(%dma_start3A_57 : memref<10112x128xf32, #tpu.memory_space<vmem_shared>>) offsets(%arg8 : memref<128xi32, #tpu.memory_space<vmem>>) semaphore(%run_scoped3A : memref<!tpu.dma_semaphore, #tpu.memory_space<semaphore_mem>>) {add = true}
          %dma_wait3A_58 = arith.constant 0 : i32
          %dma_wait3A_59 = arith.constant 0 : i32
          %dma_wait3A_60 = tpu.memref_slice %arg11[%dma_wait3A_58, %dma_wait3A_59] : memref<10112x128xf32, #tpu.memory_space<vmem_shared>> -> memref<10112x128xf32, #tpu.memory_space<vmem_shared>>
          tpu.wait_indirect_dma semaphore(%run_scoped3A : memref<!tpu.dma_semaphore, #tpu.memory_space<semaphore_mem>>) src(%arg10 : memref<128x128xf32, #tpu.memory_space<vmem>>) dst(%dma_wait3A_60 : memref<10112x128xf32, #tpu.memory_space<vmem_shared>>)
          tpu.yield
        }) : () -> ()
      } else {
      }
    }
    %scan3A_31 = arith.constant 79 : i32
    %barrier3A_32 = arith.constant 0 : index
    tpu.barrier barrier_id(%barrier3A_32)
    %mul3A_33 = arith.constant 632 : i32
    %mul3A_34 = arith.muli %arg1, %mul3A_33 : i32
    %mul3A_35 = arith.constant 632 : i32
    %mul3A_36 = arith.muli %arg1, %mul3A_35 : i32
    "tpu.region"() ({
      %run_scoped3A = tpu.sem_alloc : memref<!tpu.dma_semaphore, #tpu.memory_space<semaphore_mem>>
      %dma_start3A = arith.constant 0 : i32
      %dma_start3A_37 = tpu.memref_slice %arg6[%arg0, %mul3A_36, %dma_start3A] : memref<2x10112x128xf32, #tpu.memory_space<hbm>> -> memref<1x632x128xf32, #tpu.memory_space<hbm>>
      %dma_start3A_38 = tpu.memref_squeeze %dma_start3A_37 : memref<1x632x128xf32, #tpu.memory_space<hbm>> -> memref<632x128xf32, #tpu.memory_space<hbm>>
      %dma_start3A_39 = arith.constant 0 : i32
      %dma_start3A_40 = tpu.memref_slice %arg11[%mul3A_34, %dma_start3A_39] : memref<10112x128xf32, #tpu.memory_space<vmem_shared>> -> memref<632x128xf32, #tpu.memory_space<vmem_shared>>
      tpu.enqueue_dma source(%dma_start3A_40 : memref<632x128xf32, #tpu.memory_space<vmem_shared>>) target(%dma_start3A_38 : memref<632x128xf32, #tpu.memory_space<hbm>>) target_semaphore(%run_scoped3A : memref<!tpu.dma_semaphore, #tpu.memory_space<semaphore_mem>>)
      %dma_wait3A = arith.constant 0 : i32
      %dma_wait3A_41 = tpu.memref_slice %arg6[%arg0, %mul3A_36, %dma_wait3A] : memref<2x10112x128xf32, #tpu.memory_space<hbm>> -> memref<1x632x128xf32, #tpu.memory_space<hbm>>
      %dma_wait3A_42 = tpu.memref_squeeze %dma_wait3A_41 : memref<1x632x128xf32, #tpu.memory_space<hbm>> -> memref<632x128xf32, #tpu.memory_space<hbm>>
      %dma_wait3A_43 = arith.constant 0 : i32
      %dma_wait3A_44 = tpu.memref_slice %arg11[%mul3A_34, %dma_wait3A_43] : memref<10112x128xf32, #tpu.memory_space<vmem_shared>> -> memref<632x128xf32, #tpu.memory_space<vmem_shared>>
      tpu.wait_dma2 semaphore(%run_scoped3A : memref<!tpu.dma_semaphore, #tpu.memory_space<semaphore_mem>>) src(%dma_wait3A_44 : memref<632x128xf32, #tpu.memory_space<vmem_shared>>) dst(%dma_wait3A_42 : memref<632x128xf32, #tpu.memory_space<hbm>>)
      tpu.yield
    }) : () -> ()
    return
  }
}

#map = affine_map<(d0, d1) -> (0)>
#map1 = affine_map<(d0, d1) -> (0, 0, 0)>
module attributes {stable_mosaic.version = 14 : i64} {
  func.func @_sc_deg(%arg0: i32, %arg1: i32, %arg2: memref<320000xi32, #tpu.memory_space<hbm>>, %arg3: memref<320000xf32, #tpu.memory_space<hbm>>, %arg4: memref<2x10112x16xf32, #tpu.memory_space<hbm>>, %arg5: memref<128xi32, #tpu.memory_space<vmem>>, %arg6: memref<128xf32, #tpu.memory_space<vmem>>, %arg7: memref<128x16xf32, #tpu.memory_space<vmem>>, %arg8: memref<10112x16xf32, #tpu.memory_space<vmem_shared>>, %arg9: memref<!tpu.dma_semaphore, #tpu.memory_space<semaphore_mem>>) attributes {dimension_semantics = [#tpu.dimension_semantics<core_parallel>, #tpu.dimension_semantics<subcore_parallel>], iteration_bounds = array<i64: 2, 16>, scalar_prefetch = 0 : i64, scratch_operands = 5 : i64, tpu.core_type = #tpu.core_type<sc_vector_subcore>, window_params = [{transform_indices = #map}, {transform_indices = #map}, {transform_indices = #map1}]} {
    %mul3A = arith.constant 2 : i32
    %mul3A_0 = arith.muli %arg1, %mul3A : i32
    %add3A = arith.addi %mul3A_0, %arg0 : i32
    %scan3A = arith.constant 0 : i32
    %scan3A_1 = arith.constant 0 : i32
    %scan3A_2 = arith.constant 128 : i32
    %scan3A_3 = arith.addi %scan3A_1, %scan3A_2 : i32
    %scan3A_4 = arith.constant 1 : i32
    scf.for %scan3A_37 = %scan3A_1 to %scan3A_3 step %scan3A_4  : i32 {
      %broadcast_in_dim3A = arith.constant 0.000000e+00 : f32
      %broadcast_in_dim3A_38 = vector.broadcast %broadcast_in_dim3A : f32 to vector<16xf32>
      %swap3A = arith.index_cast %scan3A_37 : i32 to index
      %swap3A_39 = arith.constant 0 : index
      %swap3A_40 = tpu.vector_load %arg7[%swap3A, %swap3A_39] {strides = array<i32>} : memref<128x16xf32, #tpu.memory_space<vmem>>, vector<16xf32>,
      tpu.vector_store %arg7[%swap3A, %swap3A_39], %broadcast_in_dim3A_38 {strides = array<i32>} : memref<128x16xf32, #tpu.memory_space<vmem>>, vector<16xf32>,
    }
    %scan3A_5 = arith.constant 128 : i32
    %mul3A_6 = arith.constant 632 : i32
    %mul3A_7 = arith.muli %arg1, %mul3A_6 : i32
    %add3A_8 = arith.constant 0 : i32
    %add3A_9 = arith.addi %mul3A_7, %add3A_8 : i32
    "tpu.region"() ({
      %run_scoped3A = tpu.sem_alloc : memref<!tpu.dma_semaphore, #tpu.memory_space<semaphore_mem>>
      %dma_start3A = arith.constant 0 : i32
      %dma_start3A_37 = tpu.memref_slice %arg8[%add3A_9, %dma_start3A] : memref<10112x16xf32, #tpu.memory_space<vmem_shared>> -> memref<128x16xf32, #tpu.memory_space<vmem_shared>>
      %dma_start3A_38 = arith.constant 0 : i32
      %dma_start3A_39 = tpu.memref_slice %arg8[%add3A_9, %dma_start3A_38] : memref<10112x16xf32, #tpu.memory_space<vmem_shared>> -> memref<128x16xf32, #tpu.memory_space<vmem_shared>>
      tpu.enqueue_dma source(%arg7 : memref<128x16xf32, #tpu.memory_space<vmem>>) target(%dma_start3A_39 : memref<128x16xf32, #tpu.memory_space<vmem_shared>>) target_semaphore(%run_scoped3A : memref<!tpu.dma_semaphore, #tpu.memory_space<semaphore_mem>>)
      %dma_wait3A = arith.constant 0 : i32
      %dma_wait3A_40 = tpu.memref_slice %arg8[%add3A_9, %dma_wait3A] : memref<10112x16xf32, #tpu.memory_space<vmem_shared>> -> memref<128x16xf32, #tpu.memory_space<vmem_shared>>
      %dma_wait3A_41 = arith.constant 0 : i32
      %dma_wait3A_42 = tpu.memref_slice %arg8[%add3A_9, %dma_wait3A_41] : memref<10112x16xf32, #tpu.memory_space<vmem_shared>> -> memref<128x16xf32, #tpu.memory_space<vmem_shared>>
      tpu.wait_dma2 semaphore(%run_scoped3A : memref<!tpu.dma_semaphore, #tpu.memory_space<semaphore_mem>>) src(%arg7 : memref<128x16xf32, #tpu.memory_space<vmem>>) dst(%dma_wait3A_42 : memref<128x16xf32, #tpu.memory_space<vmem_shared>>)
      tpu.yield
    }) : () -> ()
    %mul3A_10 = arith.constant 632 : i32
    %mul3A_11 = arith.muli %arg1, %mul3A_10 : i32
    %add3A_12 = arith.constant 128 : i32
    %add3A_13 = arith.addi %mul3A_11, %add3A_12 : i32
    "tpu.region"() ({
      %run_scoped3A = tpu.sem_alloc : memref<!tpu.dma_semaphore, #tpu.memory_space<semaphore_mem>>
      %dma_start3A = arith.constant 0 : i32
      %dma_start3A_37 = tpu.memref_slice %arg8[%add3A_13, %dma_start3A] : memref<10112x16xf32, #tpu.memory_space<vmem_shared>> -> memref<128x16xf32, #tpu.memory_space<vmem_shared>>
      %dma_start3A_38 = arith.constant 0 : i32
      %dma_start3A_39 = tpu.memref_slice %arg8[%add3A_13, %dma_start3A_38] : memref<10112x16xf32, #tpu.memory_space<vmem_shared>> -> memref<128x16xf32, #tpu.memory_space<vmem_shared>>
      tpu.enqueue_dma source(%arg7 : memref<128x16xf32, #tpu.memory_space<vmem>>) target(%dma_start3A_39 : memref<128x16xf32, #tpu.memory_space<vmem_shared>>) target_semaphore(%run_scoped3A : memref<!tpu.dma_semaphore, #tpu.memory_space<semaphore_mem>>)
      %dma_wait3A = arith.constant 0 : i32
      %dma_wait3A_40 = tpu.memref_slice %arg8[%add3A_13, %dma_wait3A] : memref<10112x16xf32, #tpu.memory_space<vmem_shared>> -> memref<128x16xf32, #tpu.memory_space<vmem_shared>>
      %dma_wait3A_41 = arith.constant 0 : i32
      %dma_wait3A_42 = tpu.memref_slice %arg8[%add3A_13, %dma_wait3A_41] : memref<10112x16xf32, #tpu.memory_space<vmem_shared>> -> memref<128x16xf32, #tpu.memory_space<vmem_shared>>
      tpu.wait_dma2 semaphore(%run_scoped3A : memref<!tpu.dma_semaphore, #tpu.memory_space<semaphore_mem>>) src(%arg7 : memref<128x16xf32, #tpu.memory_space<vmem>>) dst(%dma_wait3A_42 : memref<128x16xf32, #tpu.memory_space<vmem_shared>>)
      tpu.yield
    }) : () -> ()
    %mul3A_14 = arith.constant 632 : i32
    %mul3A_15 = arith.muli %arg1, %mul3A_14 : i32
    %add3A_16 = arith.constant 256 : i32
    %add3A_17 = arith.addi %mul3A_15, %add3A_16 : i32
    "tpu.region"() ({
      %run_scoped3A = tpu.sem_alloc : memref<!tpu.dma_semaphore, #tpu.memory_space<semaphore_mem>>
      %dma_start3A = arith.constant 0 : i32
      %dma_start3A_37 = tpu.memref_slice %arg8[%add3A_17, %dma_start3A] : memref<10112x16xf32, #tpu.memory_space<vmem_shared>> -> memref<128x16xf32, #tpu.memory_space<vmem_shared>>
      %dma_start3A_38 = arith.constant 0 : i32
      %dma_start3A_39 = tpu.memref_slice %arg8[%add3A_17, %dma_start3A_38] : memref<10112x16xf32, #tpu.memory_space<vmem_shared>> -> memref<128x16xf32, #tpu.memory_space<vmem_shared>>
      tpu.enqueue_dma source(%arg7 : memref<128x16xf32, #tpu.memory_space<vmem>>) target(%dma_start3A_39 : memref<128x16xf32, #tpu.memory_space<vmem_shared>>) target_semaphore(%run_scoped3A : memref<!tpu.dma_semaphore, #tpu.memory_space<semaphore_mem>>)
      %dma_wait3A = arith.constant 0 : i32
      %dma_wait3A_40 = tpu.memref_slice %arg8[%add3A_17, %dma_wait3A] : memref<10112x16xf32, #tpu.memory_space<vmem_shared>> -> memref<128x16xf32, #tpu.memory_space<vmem_shared>>
      %dma_wait3A_41 = arith.constant 0 : i32
      %dma_wait3A_42 = tpu.memref_slice %arg8[%add3A_17, %dma_wait3A_41] : memref<10112x16xf32, #tpu.memory_space<vmem_shared>> -> memref<128x16xf32, #tpu.memory_space<vmem_shared>>
      tpu.wait_dma2 semaphore(%run_scoped3A : memref<!tpu.dma_semaphore, #tpu.memory_space<semaphore_mem>>) src(%arg7 : memref<128x16xf32, #tpu.memory_space<vmem>>) dst(%dma_wait3A_42 : memref<128x16xf32, #tpu.memory_space<vmem_shared>>)
      tpu.yield
    }) : () -> ()
    %mul3A_18 = arith.constant 632 : i32
    %mul3A_19 = arith.muli %arg1, %mul3A_18 : i32
    %add3A_20 = arith.constant 384 : i32
    %add3A_21 = arith.addi %mul3A_19, %add3A_20 : i32
    "tpu.region"() ({
      %run_scoped3A = tpu.sem_alloc : memref<!tpu.dma_semaphore, #tpu.memory_space<semaphore_mem>>
      %dma_start3A = arith.constant 0 : i32
      %dma_start3A_37 = tpu.memref_slice %arg8[%add3A_21, %dma_start3A] : memref<10112x16xf32, #tpu.memory_space<vmem_shared>> -> memref<128x16xf32, #tpu.memory_space<vmem_shared>>
      %dma_start3A_38 = arith.constant 0 : i32
      %dma_start3A_39 = tpu.memref_slice %arg8[%add3A_21, %dma_start3A_38] : memref<10112x16xf32, #tpu.memory_space<vmem_shared>> -> memref<128x16xf32, #tpu.memory_space<vmem_shared>>
      tpu.enqueue_dma source(%arg7 : memref<128x16xf32, #tpu.memory_space<vmem>>) target(%dma_start3A_39 : memref<128x16xf32, #tpu.memory_space<vmem_shared>>) target_semaphore(%run_scoped3A : memref<!tpu.dma_semaphore, #tpu.memory_space<semaphore_mem>>)
      %dma_wait3A = arith.constant 0 : i32
      %dma_wait3A_40 = tpu.memref_slice %arg8[%add3A_21, %dma_wait3A] : memref<10112x16xf32, #tpu.memory_space<vmem_shared>> -> memref<128x16xf32, #tpu.memory_space<vmem_shared>>
      %dma_wait3A_41 = arith.constant 0 : i32
      %dma_wait3A_42 = tpu.memref_slice %arg8[%add3A_21, %dma_wait3A_41] : memref<10112x16xf32, #tpu.memory_space<vmem_shared>> -> memref<128x16xf32, #tpu.memory_space<vmem_shared>>
      tpu.wait_dma2 semaphore(%run_scoped3A : memref<!tpu.dma_semaphore, #tpu.memory_space<semaphore_mem>>) src(%arg7 : memref<128x16xf32, #tpu.memory_space<vmem>>) dst(%dma_wait3A_42 : memref<128x16xf32, #tpu.memory_space<vmem_shared>>)
      tpu.yield
    }) : () -> ()
    %mul3A_22 = arith.constant 632 : i32
    %mul3A_23 = arith.muli %arg1, %mul3A_22 : i32
    %add3A_24 = arith.constant 512 : i32
    %add3A_25 = arith.addi %mul3A_23, %add3A_24 : i32
    "tpu.region"() ({
      %run_scoped3A = tpu.sem_alloc : memref<!tpu.dma_semaphore, #tpu.memory_space<semaphore_mem>>
      %dma_start3A = arith.constant 0 : i32
      %dma_start3A_37 = arith.constant 0 : i32
      %dma_start3A_38 = tpu.memref_slice %arg7[%dma_start3A, %dma_start3A_37] : memref<128x16xf32, #tpu.memory_space<vmem>> -> memref<120x16xf32, #tpu.memory_space<vmem>>
      %dma_start3A_39 = arith.constant 0 : i32
      %dma_start3A_40 = tpu.memref_slice %arg8[%add3A_25, %dma_start3A_39] : memref<10112x16xf32, #tpu.memory_space<vmem_shared>> -> memref<120x16xf32, #tpu.memory_space<vmem_shared>>
      %dma_start3A_41 = arith.constant 0 : i32
      %dma_start3A_42 = tpu.memref_slice %arg8[%add3A_25, %dma_start3A_41] : memref<10112x16xf32, #tpu.memory_space<vmem_shared>> -> memref<120x16xf32, #tpu.memory_space<vmem_shared>>
      %dma_start3A_43 = arith.constant 0 : i32
      %dma_start3A_44 = arith.constant 0 : i32
      %dma_start3A_45 = tpu.memref_slice %arg7[%dma_start3A_43, %dma_start3A_44] : memref<128x16xf32, #tpu.memory_space<vmem>> -> memref<120x16xf32, #tpu.memory_space<vmem>>
      tpu.enqueue_dma source(%dma_start3A_45 : memref<120x16xf32, #tpu.memory_space<vmem>>) target(%dma_start3A_42 : memref<120x16xf32, #tpu.memory_space<vmem_shared>>) target_semaphore(%run_scoped3A : memref<!tpu.dma_semaphore, #tpu.memory_space<semaphore_mem>>)
      %dma_wait3A = arith.constant 0 : i32
      %dma_wait3A_46 = arith.constant 0 : i32
      %dma_wait3A_47 = tpu.memref_slice %arg7[%dma_wait3A, %dma_wait3A_46] : memref<128x16xf32, #tpu.memory_space<vmem>> -> memref<120x16xf32, #tpu.memory_space<vmem>>
      %dma_wait3A_48 = arith.constant 0 : i32
      %dma_wait3A_49 = tpu.memref_slice %arg8[%add3A_25, %dma_wait3A_48] : memref<10112x16xf32, #tpu.memory_space<vmem_shared>> -> memref<120x16xf32, #tpu.memory_space<vmem_shared>>
      %dma_wait3A_50 = arith.constant 0 : i32
      %dma_wait3A_51 = tpu.memref_slice %arg8[%add3A_25, %dma_wait3A_50] : memref<10112x16xf32, #tpu.memory_space<vmem_shared>> -> memref<120x16xf32, #tpu.memory_space<vmem_shared>>
      %dma_wait3A_52 = arith.constant 0 : i32
      %dma_wait3A_53 = arith.constant 0 : i32
      %dma_wait3A_54 = tpu.memref_slice %arg7[%dma_wait3A_52, %dma_wait3A_53] : memref<128x16xf32, #tpu.memory_space<vmem>> -> memref<120x16xf32, #tpu.memory_space<vmem>>
      tpu.wait_dma2 semaphore(%run_scoped3A : memref<!tpu.dma_semaphore, #tpu.memory_space<semaphore_mem>>) src(%dma_wait3A_54 : memref<120x16xf32, #tpu.memory_space<vmem>>) dst(%dma_wait3A_51 : memref<120x16xf32, #tpu.memory_space<vmem_shared>>)
      tpu.yield
    }) : () -> ()
    %barrier3A = arith.constant 0 : index
    tpu.barrier barrier_id(%barrier3A)
    %scan3A_26 = arith.constant 0 : i32
    %scan3A_27 = arith.constant 0 : i32
    %scan3A_28 = arith.constant 79 : i32
    %scan3A_29 = arith.addi %scan3A_27, %scan3A_28 : i32
    %scan3A_30 = arith.constant 1 : i32
    scf.for %scan3A_37 = %scan3A_27 to %scan3A_29 step %scan3A_30  : i32 {
      %mul3A_38 = arith.constant 32 : i32
      %mul3A_39 = arith.muli %mul3A_38, %scan3A_37 : i32
      %add3A_40 = arith.addi %add3A, %mul3A_39 : i32
      %lt3A = arith.constant 2500 : i32
      %lt3A_41 = arith.cmpi slt, %add3A_40, %lt3A : i32
      %convert_element_type3A = arith.extui %lt3A_41 : i1 to i32
      %cond3A = arith.constant 0 : i32
      %cond3A_42 = arith.cmpi ne, %convert_element_type3A, %cond3A : i32
      scf.if %cond3A_42 {
        %mul3A_43 = arith.constant 128 : i32
        %mul3A_44 = arith.muli %add3A_40, %mul3A_43 : i32
        "tpu.region"() ({
          %run_scoped3A = tpu.sem_alloc : memref<!tpu.dma_semaphore, #tpu.memory_space<semaphore_mem>>
          %dma_start3A = tpu.memref_slice %arg2[%mul3A_44] : memref<320000xi32, #tpu.memory_space<hbm>> -> memref<128xi32, #tpu.memory_space<hbm>>
          %dma_start3A_51 = tpu.memref_slice %arg2[%mul3A_44] : memref<320000xi32, #tpu.memory_space<hbm>> -> memref<128xi32, #tpu.memory_space<hbm>>
          tpu.enqueue_dma source(%dma_start3A_51 : memref<128xi32, #tpu.memory_space<hbm>>) target(%arg5 : memref<128xi32, #tpu.memory_space<vmem>>) target_semaphore(%run_scoped3A : memref<!tpu.dma_semaphore, #tpu.memory_space<semaphore_mem>>)
          %dma_wait3A = tpu.memref_slice %arg2[%mul3A_44] : memref<320000xi32, #tpu.memory_space<hbm>> -> memref<128xi32, #tpu.memory_space<hbm>>
          %dma_wait3A_52 = tpu.memref_slice %arg2[%mul3A_44] : memref<320000xi32, #tpu.memory_space<hbm>> -> memref<128xi32, #tpu.memory_space<hbm>>
          tpu.wait_dma2 semaphore(%run_scoped3A : memref<!tpu.dma_semaphore, #tpu.memory_space<semaphore_mem>>) src(%dma_wait3A_52 : memref<128xi32, #tpu.memory_space<hbm>>) dst(%arg5 : memref<128xi32, #tpu.memory_space<vmem>>)
          tpu.yield
        }) : () -> ()
        "tpu.region"() ({
          %run_scoped3A = tpu.sem_alloc : memref<!tpu.dma_semaphore, #tpu.memory_space<semaphore_mem>>
          %dma_start3A = tpu.memref_slice %arg3[%mul3A_44] : memref<320000xf32, #tpu.memory_space<hbm>> -> memref<128xf32, #tpu.memory_space<hbm>>
          %dma_start3A_51 = tpu.memref_slice %arg3[%mul3A_44] : memref<320000xf32, #tpu.memory_space<hbm>> -> memref<128xf32, #tpu.memory_space<hbm>>
          tpu.enqueue_dma source(%dma_start3A_51 : memref<128xf32, #tpu.memory_space<hbm>>) target(%arg6 : memref<128xf32, #tpu.memory_space<vmem>>) target_semaphore(%run_scoped3A : memref<!tpu.dma_semaphore, #tpu.memory_space<semaphore_mem>>)
          %dma_wait3A = tpu.memref_slice %arg3[%mul3A_44] : memref<320000xf32, #tpu.memory_space<hbm>> -> memref<128xf32, #tpu.memory_space<hbm>>
          %dma_wait3A_52 = tpu.memref_slice %arg3[%mul3A_44] : memref<320000xf32, #tpu.memory_space<hbm>> -> memref<128xf32, #tpu.memory_space<hbm>>
          tpu.wait_dma2 semaphore(%run_scoped3A : memref<!tpu.dma_semaphore, #tpu.memory_space<semaphore_mem>>) src(%dma_wait3A_52 : memref<128xf32, #tpu.memory_space<hbm>>) dst(%arg6 : memref<128xf32, #tpu.memory_space<vmem>>)
          tpu.yield
        }) : () -> ()
        %scan3A_45 = arith.constant 0 : i32
        %scan3A_46 = arith.constant 0 : i32
        %scan3A_47 = arith.constant 128 : i32
        %scan3A_48 = arith.addi %scan3A_46, %scan3A_47 : i32
        %scan3A_49 = arith.constant 1 : i32
        scf.for %scan3A_51 = %scan3A_46 to %scan3A_48 step %scan3A_49  : i32 {
          %broadcast_in_dim3A = vector.broadcast %scan3A_51 : i32 to vector<16xi32>
          %gather3A = tpu.vector_load_idx %arg6[%broadcast_in_dim3A] : memref<128xf32, #tpu.memory_space<vmem>>[vector<16xi32>], vector<16xf32>,
          %swap3A = arith.index_cast %scan3A_51 : i32 to index
          %swap3A_52 = arith.constant 0 : index
          %swap3A_53 = tpu.vector_load %arg7[%swap3A, %swap3A_52] {strides = array<i32>} : memref<128x16xf32, #tpu.memory_space<vmem>>, vector<16xf32>,
          tpu.vector_store %arg7[%swap3A, %swap3A_52], %gather3A {strides = array<i32>} : memref<128x16xf32, #tpu.memory_space<vmem>>, vector<16xf32>,
        }
        %scan3A_50 = arith.constant 128 : i32
        "tpu.region"() ({
          %run_scoped3A = tpu.sem_alloc : memref<!tpu.dma_semaphore, #tpu.memory_space<semaphore_mem>>
          %dma_start3A = arith.constant 0 : i32
          %dma_start3A_51 = arith.constant 0 : i32
          %dma_start3A_52 = tpu.memref_slice %arg8[%dma_start3A, %dma_start3A_51] : memref<10112x16xf32, #tpu.memory_space<vmem_shared>> -> memref<10112x16xf32, #tpu.memory_space<vmem_shared>>
          tpu.enqueue_indirect_dma source(%arg7 : memref<128x16xf32, #tpu.memory_space<vmem>>) target(%dma_start3A_52 : memref<10112x16xf32, #tpu.memory_space<vmem_shared>>) offsets(%arg5 : memref<128xi32, #tpu.memory_space<vmem>>) semaphore(%run_scoped3A : memref<!tpu.dma_semaphore, #tpu.memory_space<semaphore_mem>>) {add = true}
          %dma_wait3A = arith.constant 0 : i32
          %dma_wait3A_53 = arith.constant 0 : i32
          %dma_wait3A_54 = tpu.memref_slice %arg8[%dma_wait3A, %dma_wait3A_53] : memref<10112x16xf32, #tpu.memory_space<vmem_shared>> -> memref<10112x16xf32, #tpu.memory_space<vmem_shared>>
          tpu.wait_indirect_dma semaphore(%run_scoped3A : memref<!tpu.dma_semaphore, #tpu.memory_space<semaphore_mem>>) src(%arg7 : memref<128x16xf32, #tpu.memory_space<vmem>>) dst(%dma_wait3A_54 : memref<10112x16xf32, #tpu.memory_space<vmem_shared>>)
          tpu.yield
        }) : () -> ()
      } else {
      }
    }
    %scan3A_31 = arith.constant 79 : i32
    %barrier3A_32 = arith.constant 0 : index
    tpu.barrier barrier_id(%barrier3A_32)
    %mul3A_33 = arith.constant 632 : i32
    %mul3A_34 = arith.muli %arg1, %mul3A_33 : i32
    %mul3A_35 = arith.constant 632 : i32
    %mul3A_36 = arith.muli %arg1, %mul3A_35 : i32
    "tpu.region"() ({
      %run_scoped3A = tpu.sem_alloc : memref<!tpu.dma_semaphore, #tpu.memory_space<semaphore_mem>>
      %dma_start3A = arith.constant 0 : i32
      %dma_start3A_37 = tpu.memref_slice %arg4[%arg0, %mul3A_36, %dma_start3A] : memref<2x10112x16xf32, #tpu.memory_space<hbm>> -> memref<1x632x16xf32, #tpu.memory_space<hbm>>
      %dma_start3A_38 = tpu.memref_squeeze %dma_start3A_37 : memref<1x632x16xf32, #tpu.memory_space<hbm>> -> memref<632x16xf32, #tpu.memory_space<hbm>>
      %dma_start3A_39 = arith.constant 0 : i32
      %dma_start3A_40 = tpu.memref_slice %arg8[%mul3A_34, %dma_start3A_39] : memref<10112x16xf32, #tpu.memory_space<vmem_shared>> -> memref<632x16xf32, #tpu.memory_space<vmem_shared>>
      tpu.enqueue_dma source(%dma_start3A_40 : memref<632x16xf32, #tpu.memory_space<vmem_shared>>) target(%dma_start3A_38 : memref<632x16xf32, #tpu.memory_space<hbm>>) target_semaphore(%run_scoped3A : memref<!tpu.dma_semaphore, #tpu.memory_space<semaphore_mem>>)
      %dma_wait3A = arith.constant 0 : i32
      %dma_wait3A_41 = tpu.memref_slice %arg4[%arg0, %mul3A_36, %dma_wait3A] : memref<2x10112x16xf32, #tpu.memory_space<hbm>> -> memref<1x632x16xf32, #tpu.memory_space<hbm>>
      %dma_wait3A_42 = tpu.memref_squeeze %dma_wait3A_41 : memref<1x632x16xf32, #tpu.memory_space<hbm>> -> memref<632x16xf32, #tpu.memory_space<hbm>>
      %dma_wait3A_43 = arith.constant 0 : i32
      %dma_wait3A_44 = tpu.memref_slice %arg8[%mul3A_34, %dma_wait3A_43] : memref<10112x16xf32, #tpu.memory_space<vmem_shared>> -> memref<632x16xf32, #tpu.memory_space<vmem_shared>>
      tpu.wait_dma2 semaphore(%run_scoped3A : memref<!tpu.dma_semaphore, #tpu.memory_space<semaphore_mem>>) src(%dma_wait3A_44 : memref<632x16xf32, #tpu.memory_space<vmem_shared>>) dst(%dma_wait3A_42 : memref<632x16xf32, #tpu.memory_space<hbm>>)
      tpu.yield
    }) : () -> ()
    return
  }
}

module attributes {stable_mosaic.version = 14 : i64} {
  func.func @_tc_combine_body(%arg0: i32, %arg1: memref<2x1000x128xf32, #tpu.memory_space<vmem>>, %arg2: memref<1000x128xf32, #tpu.memory_space<vmem>>, %arg3: memref<2x1000x16xf32, #tpu.memory_space<vmem>>, %arg4: memref<128xf32, #tpu.memory_space<vmem>>, %arg5: memref<1000x128xf32, #tpu.memory_space<vmem>>) attributes {dimension_semantics = [#tpu.dimension_semantics<arbitrary>], iteration_bounds = array<i64: 10>, scalar_prefetch = 0 : i64, scratch_operands = 0 : i64, tpu.core_type = #tpu.core_type<tc>, window_params = [{transform_indices = @transform_0, window_bounds = array<i64: 2, 1000, 128>}, {transform_indices = @transform_1, window_bounds = array<i64: 1000, 128>}, {transform_indices = @transform_2, window_bounds = array<i64: 2, 1000, 16>}, {pipeline_mode = #tpu.pipeline_mode<synchronous>, transform_indices = @transform_3, window_bounds = array<i64: 128>}, {transform_indices = @transform_4, window_bounds = array<i64: 1000, 128>}]} {
    %get3A = arith.constant 0 : index
    %get3A_0 = arith.constant 0 : index
    %get3A_1 = arith.constant 0 : index
    %get3A_2 = vector.load %arg3[%get3A, %get3A_0, %get3A_1] : memref<2x1000x16xf32, #tpu.memory_space<vmem>>, vector<2x1000x16xf32>
    %slice3A = vector.extract_strided_slice %get3A_2 {offsets = [0, 0, 0], sizes = [1, 1000, 1], strides = [1, 1, 1]} : vector<2x1000x16xf32> to vector<1x1000x1xf32>
    %squeeze3A = vector.shape_cast %slice3A : vector<1x1000x1xf32> to vector<1000xf32>
    %slice3A_3 = vector.extract_strided_slice %get3A_2 {offsets = [1, 0, 0], sizes = [1, 1000, 1], strides = [1, 1, 1]} : vector<2x1000x16xf32> to vector<1x1000x1xf32>
    %squeeze3A_4 = vector.shape_cast %slice3A_3 : vector<1x1000x1xf32> to vector<1000xf32>
    %add3A = arith.addf %squeeze3A, %squeeze3A_4 : vector<1000xf32>
    %add3A_5 = arith.constant 1.000000e+00 : f32
    %add3A_6 = vector.broadcast %add3A_5 : f32 to vector<1000xf32>
    %add3A_7 = arith.addf %add3A, %add3A_6 : vector<1000xf32>
    %rsqrt3A = math.rsqrt %add3A_7 : vector<1000xf32>
    %broadcast_in_dim3A = vector.shape_cast %rsqrt3A : vector<1000xf32> to vector<1000x1xf32>
    %get3A_8 = arith.constant 0 : index
    %get3A_9 = arith.constant 0 : index
    %get3A_10 = arith.constant 0 : index
    %get3A_11 = vector.load %arg1[%get3A_8, %get3A_9, %get3A_10] : memref<2x1000x128xf32, #tpu.memory_space<vmem>>, vector<1x1000x128xf32>
    %get3A_12 = vector.shape_cast %get3A_11 : vector<1x1000x128xf32> to vector<1000x128xf32>
    %get3A_13 = arith.constant 1 : index
    %get3A_14 = arith.constant 0 : index
    %get3A_15 = arith.constant 0 : index
    %get3A_16 = vector.load %arg1[%get3A_13, %get3A_14, %get3A_15] : memref<2x1000x128xf32, #tpu.memory_space<vmem>>, vector<1x1000x128xf32>
    %get3A_17 = vector.shape_cast %get3A_16 : vector<1x1000x128xf32> to vector<1000x128xf32>
    %add3A_18 = arith.addf %get3A_12, %get3A_17 : vector<1000x128xf32>
    %get3A_19 = arith.constant 0 : index
    %get3A_20 = arith.constant 0 : index
    %get3A_21 = vector.load %arg2[%get3A_19, %get3A_20] : memref<1000x128xf32, #tpu.memory_space<vmem>>, vector<1000x128xf32>
    %add3A_22 = arith.addf %add3A_18, %get3A_21 : vector<1000x128xf32>
    %mul3A = vector.broadcast %broadcast_in_dim3A : vector<1000x1xf32> to vector<1000x128xf32>
    %mul3A_23 = arith.mulf %mul3A, %add3A_22 : vector<1000x128xf32>
    %get3A_24 = arith.constant 0 : index
    %get3A_25 = vector.load %arg4[%get3A_24] : memref<128xf32, #tpu.memory_space<vmem>>, vector<128xf32>
    %broadcast_in_dim3A_26 = vector.shape_cast %get3A_25 : vector<128xf32> to vector<1x128xf32>
    %add3A_27 = vector.broadcast %broadcast_in_dim3A_26 : vector<1x128xf32> to vector<1000x128xf32>
    %add3A_28 = arith.addf %mul3A_23, %add3A_27 : vector<1000x128xf32>
    %swap3A = arith.constant 0 : index
    %swap3A_29 = arith.constant 0 : index
    %swap3A_30 = vector.load %arg5[%swap3A, %swap3A_29] : memref<1000x128xf32, #tpu.memory_space<vmem>>, vector<1000x128xf32>
    tpu.vector_store %arg5[%swap3A, %swap3A_29], %add3A_28 {strides = array<i32>} : memref<1000x128xf32, #tpu.memory_space<vmem>>, vector<1000x128xf32>,
    return
  }
  func.func @transform_0(%arg0: i32) -> (i32, i32, i32) {
    %c0_i32 = arith.constant 0 : i32
    %c0_i32_0 = arith.constant 0 : i32
    %c0_i32_1 = arith.constant 0 : i32
    return %c0_i32, %arg0, %c0_i32_0 : i32, i32, i32
  }
  func.func @transform_1(%arg0: i32) -> (i32, i32) {
    %c0_i32 = arith.constant 0 : i32
    %c0_i32_0 = arith.constant 0 : i32
    return %arg0, %c0_i32 : i32, i32
  }
  func.func @transform_2(%arg0: i32) -> (i32, i32, i32) {
    %c0_i32 = arith.constant 0 : i32
    %c0_i32_0 = arith.constant 0 : i32
    %c0_i32_1 = arith.constant 0 : i32
    return %c0_i32, %arg0, %c0_i32_0 : i32, i32, i32
  }
  func.func @transform_3(%arg0: i32) -> i32 {
    %c0_i32 = arith.constant 0 : i32
    %c0_i32_0 = arith.constant 0 : i32
    return %c0_i32 : i32
  }
  func.func @transform_4(%arg0: i32) -> (i32, i32) {
    %c0_i32 = arith.constant 0 : i32
    %c0_i32_0 = arith.constant 0 : i32
    return %arg0, %c0_i32 : i32, i32
  }
}

module attributes {stable_mosaic.version = 14 : i64} {
  func.func @_tc_mm_scale_body(%arg0: i32, %arg1: memref<1000x128xf32, #tpu.memory_space<vmem>>, %arg2: memref<128x128xf32, #tpu.memory_space<vmem>>, %arg3: memref<2x1000x16xf32, #tpu.memory_space<vmem>>, %arg4: memref<1000x128xf32, #tpu.memory_space<vmem>>) attributes {dimension_semantics = [#tpu.dimension_semantics<arbitrary>], iteration_bounds = array<i64: 10>, scalar_prefetch = 0 : i64, scratch_operands = 0 : i64, tpu.core_type = #tpu.core_type<tc>, window_params = [{transform_indices = @transform_0, window_bounds = array<i64: 1000, 128>}, {pipeline_mode = #tpu.pipeline_mode<synchronous>, transform_indices = @transform_1, window_bounds = array<i64: 128, 128>}, {transform_indices = @transform_2, window_bounds = array<i64: 2, 1000, 16>}, {transform_indices = @transform_3, window_bounds = array<i64: 1000, 128>}]} {
    %get3A = arith.constant 0 : index
    %get3A_0 = arith.constant 0 : index
    %get3A_1 = arith.constant 0 : index
    %get3A_2 = vector.load %arg3[%get3A, %get3A_0, %get3A_1] : memref<2x1000x16xf32, #tpu.memory_space<vmem>>, vector<2x1000x16xf32>
    %slice3A = vector.extract_strided_slice %get3A_2 {offsets = [0, 0, 0], sizes = [1, 1000, 1], strides = [1, 1, 1]} : vector<2x1000x16xf32> to vector<1x1000x1xf32>
    %squeeze3A = vector.shape_cast %slice3A : vector<1x1000x1xf32> to vector<1000xf32>
    %slice3A_3 = vector.extract_strided_slice %get3A_2 {offsets = [1, 0, 0], sizes = [1, 1000, 1], strides = [1, 1, 1]} : vector<2x1000x16xf32> to vector<1x1000x1xf32>
    %squeeze3A_4 = vector.shape_cast %slice3A_3 : vector<1x1000x1xf32> to vector<1000xf32>
    %add3A = arith.addf %squeeze3A, %squeeze3A_4 : vector<1000xf32>
    %add3A_5 = arith.constant 1.000000e+00 : f32
    %add3A_6 = vector.broadcast %add3A_5 : f32 to vector<1000xf32>
    %add3A_7 = arith.addf %add3A, %add3A_6 : vector<1000xf32>
    %rsqrt3A = math.rsqrt %add3A_7 : vector<1000xf32>
    %get3A_8 = arith.constant 0 : index
    %get3A_9 = arith.constant 0 : index
    %get3A_10 = vector.load %arg1[%get3A_8, %get3A_9] : memref<1000x128xf32, #tpu.memory_space<vmem>>, vector<1000x128xf32>
    %get3A_11 = arith.constant 0 : index
    %get3A_12 = arith.constant 0 : index
    %get3A_13 = vector.load %arg2[%get3A_11, %get3A_12] : memref<128x128xf32, #tpu.memory_space<vmem>>, vector<128x128xf32>
    %dot_general3A = arith.constant dense<0.000000e+00> : vector<1000x128xf32>
    %dot_general3A_14 = tpu.matmul %get3A_10, %get3A_13, %dot_general3A {dimension_numbers = #tpu.dot_dimension_numbers<[1], [0], [0], [1], [0, 0, 1, 1], [], []>, transpose_lhs_hint = false} : vector<1000x128xf32>, vector<128x128xf32>, vector<1000x128xf32> -> vector<1000x128xf32>
    %broadcast_in_dim3A = vector.shape_cast %rsqrt3A : vector<1000xf32> to vector<1000x1xf32>
    %mul3A = vector.broadcast %broadcast_in_dim3A : vector<1000x1xf32> to vector<1000x128xf32>
    %mul3A_15 = arith.mulf %mul3A, %dot_general3A_14 : vector<1000x128xf32>
    %swap3A = arith.constant 0 : index
    %swap3A_16 = arith.constant 0 : index
    %swap3A_17 = vector.load %arg4[%swap3A, %swap3A_16] : memref<1000x128xf32, #tpu.memory_space<vmem>>, vector<1000x128xf32>
    tpu.vector_store %arg4[%swap3A, %swap3A_16], %mul3A_15 {strides = array<i32>} : memref<1000x128xf32, #tpu.memory_space<vmem>>, vector<1000x128xf32>,
    return
  }
  func.func @transform_0(%arg0: i32) -> (i32, i32) {
    %c0_i32 = arith.constant 0 : i32
    %c0_i32_0 = arith.constant 0 : i32
    return %arg0, %c0_i32 : i32, i32
  }
  func.func @transform_1(%arg0: i32) -> (i32, i32) {
    %c0_i32 = arith.constant 0 : i32
    %c0_i32_0 = arith.constant 0 : i32
    %c0_i32_1 = arith.constant 0 : i32
    return %c0_i32, %c0_i32_0 : i32, i32
  }
  func.func @transform_2(%arg0: i32) -> (i32, i32, i32) {
    %c0_i32 = arith.constant 0 : i32
    %c0_i32_0 = arith.constant 0 : i32
    %c0_i32_1 = arith.constant 0 : i32
    return %c0_i32, %arg0, %c0_i32_0 : i32, i32, i32
  }
  func.func @transform_3(%arg0: i32) -> (i32, i32) {
    %c0_i32 = arith.constant 0 : i32
    %c0_i32_0 = arith.constant 0 : i32
    return %arg0, %c0_i32 : i32, i32
  }
}

module attributes {stable_mosaic.version = 14 : i64} {
  func.func @_tc_combine_mm_body(%arg0: i32, %arg1: memref<2x1000x128xf32, #tpu.memory_space<vmem>>, %arg2: memref<1000x128xf32, #tpu.memory_space<vmem>>, %arg3: memref<2x1000x16xf32, #tpu.memory_space<vmem>>, %arg4: memref<128xf32, #tpu.memory_space<vmem>>, %arg5: memref<128x128xf32, #tpu.memory_space<vmem>>, %arg6: memref<1000x128xf32, #tpu.memory_space<vmem>>) attributes {dimension_semantics = [#tpu.dimension_semantics<arbitrary>], iteration_bounds = array<i64: 10>, scalar_prefetch = 0 : i64, scratch_operands = 0 : i64, tpu.core_type = #tpu.core_type<tc>, window_params = [{transform_indices = @transform_0, window_bounds = array<i64: 2, 1000, 128>}, {transform_indices = @transform_1, window_bounds = array<i64: 1000, 128>}, {transform_indices = @transform_2, window_bounds = array<i64: 2, 1000, 16>}, {pipeline_mode = #tpu.pipeline_mode<synchronous>, transform_indices = @transform_3, window_bounds = array<i64: 128>}, {pipeline_mode = #tpu.pipeline_mode<synchronous>, transform_indices = @transform_4, window_bounds = array<i64: 128, 128>}, {transform_indices = @transform_5, window_bounds = array<i64: 1000, 128>}]} {
    %get3A = arith.constant 0 : index
    %get3A_0 = arith.constant 0 : index
    %get3A_1 = arith.constant 0 : index
    %get3A_2 = vector.load %arg3[%get3A, %get3A_0, %get3A_1] : memref<2x1000x16xf32, #tpu.memory_space<vmem>>, vector<2x1000x16xf32>
    %slice3A = vector.extract_strided_slice %get3A_2 {offsets = [0, 0, 0], sizes = [1, 1000, 1], strides = [1, 1, 1]} : vector<2x1000x16xf32> to vector<1x1000x1xf32>
    %squeeze3A = vector.shape_cast %slice3A : vector<1x1000x1xf32> to vector<1000xf32>
    %slice3A_3 = vector.extract_strided_slice %get3A_2 {offsets = [1, 0, 0], sizes = [1, 1000, 1], strides = [1, 1, 1]} : vector<2x1000x16xf32> to vector<1x1000x1xf32>
    %squeeze3A_4 = vector.shape_cast %slice3A_3 : vector<1x1000x1xf32> to vector<1000xf32>
    %add3A = arith.addf %squeeze3A, %squeeze3A_4 : vector<1000xf32>
    %add3A_5 = arith.constant 1.000000e+00 : f32
    %add3A_6 = vector.broadcast %add3A_5 : f32 to vector<1000xf32>
    %add3A_7 = arith.addf %add3A, %add3A_6 : vector<1000xf32>
    %rsqrt3A = math.rsqrt %add3A_7 : vector<1000xf32>
    %broadcast_in_dim3A = vector.shape_cast %rsqrt3A : vector<1000xf32> to vector<1000x1xf32>
    %get3A_8 = arith.constant 0 : index
    %get3A_9 = arith.constant 0 : index
    %get3A_10 = arith.constant 0 : index
    %get3A_11 = vector.load %arg1[%get3A_8, %get3A_9, %get3A_10] : memref<2x1000x128xf32, #tpu.memory_space<vmem>>, vector<1x1000x128xf32>
    %get3A_12 = vector.shape_cast %get3A_11 : vector<1x1000x128xf32> to vector<1000x128xf32>
    %get3A_13 = arith.constant 1 : index
    %get3A_14 = arith.constant 0 : index
    %get3A_15 = arith.constant 0 : index
    %get3A_16 = vector.load %arg1[%get3A_13, %get3A_14, %get3A_15] : memref<2x1000x128xf32, #tpu.memory_space<vmem>>, vector<1x1000x128xf32>
    %get3A_17 = vector.shape_cast %get3A_16 : vector<1x1000x128xf32> to vector<1000x128xf32>
    %add3A_18 = arith.addf %get3A_12, %get3A_17 : vector<1000x128xf32>
    %get3A_19 = arith.constant 0 : index
    %get3A_20 = arith.constant 0 : index
    %get3A_21 = vector.load %arg2[%get3A_19, %get3A_20] : memref<1000x128xf32, #tpu.memory_space<vmem>>, vector<1000x128xf32>
    %add3A_22 = arith.addf %add3A_18, %get3A_21 : vector<1000x128xf32>
    %mul3A = vector.broadcast %broadcast_in_dim3A : vector<1000x1xf32> to vector<1000x128xf32>
    %mul3A_23 = arith.mulf %mul3A, %add3A_22 : vector<1000x128xf32>
    %get3A_24 = arith.constant 0 : index
    %get3A_25 = vector.load %arg4[%get3A_24] : memref<128xf32, #tpu.memory_space<vmem>>, vector<128xf32>
    %broadcast_in_dim3A_26 = vector.shape_cast %get3A_25 : vector<128xf32> to vector<1x128xf32>
    %add3A_27 = vector.broadcast %broadcast_in_dim3A_26 : vector<1x128xf32> to vector<1000x128xf32>
    %add3A_28 = arith.addf %mul3A_23, %add3A_27 : vector<1000x128xf32>
    %get3A_29 = arith.constant 0 : index
    %get3A_30 = arith.constant 0 : index
    %get3A_31 = vector.load %arg5[%get3A_29, %get3A_30] : memref<128x128xf32, #tpu.memory_space<vmem>>, vector<128x128xf32>
    %dot_general3A = arith.constant dense<0.000000e+00> : vector<1000x128xf32>
    %dot_general3A_32 = tpu.matmul %add3A_28, %get3A_31, %dot_general3A {dimension_numbers = #tpu.dot_dimension_numbers<[1], [0], [0], [1], [0, 0, 1, 1], [], []>, transpose_lhs_hint = false} : vector<1000x128xf32>, vector<128x128xf32>, vector<1000x128xf32> -> vector<1000x128xf32>
    %broadcast_in_dim3A_33 = vector.shape_cast %rsqrt3A : vector<1000xf32> to vector<1000x1xf32>
    %mul3A_34 = vector.broadcast %broadcast_in_dim3A_33 : vector<1000x1xf32> to vector<1000x128xf32>
    %mul3A_35 = arith.mulf %mul3A_34, %dot_general3A_32 : vector<1000x128xf32>
    %swap3A = arith.constant 0 : index
    %swap3A_36 = arith.constant 0 : index
    %swap3A_37 = vector.load %arg6[%swap3A, %swap3A_36] : memref<1000x128xf32, #tpu.memory_space<vmem>>, vector<1000x128xf32>
    tpu.vector_store %arg6[%swap3A, %swap3A_36], %mul3A_35 {strides = array<i32>} : memref<1000x128xf32, #tpu.memory_space<vmem>>, vector<1000x128xf32>,
    return
  }
  func.func @transform_0(%arg0: i32) -> (i32, i32, i32) {
    %c0_i32 = arith.constant 0 : i32
    %c0_i32_0 = arith.constant 0 : i32
    %c0_i32_1 = arith.constant 0 : i32
    return %c0_i32, %arg0, %c0_i32_0 : i32, i32, i32
  }
  func.func @transform_1(%arg0: i32) -> (i32, i32) {
    %c0_i32 = arith.constant 0 : i32
    %c0_i32_0 = arith.constant 0 : i32
    return %arg0, %c0_i32 : i32, i32
  }
  func.func @transform_2(%arg0: i32) -> (i32, i32, i32) {
    %c0_i32 = arith.constant 0 : i32
    %c0_i32_0 = arith.constant 0 : i32
    %c0_i32_1 = arith.constant 0 : i32
    return %c0_i32, %arg0, %c0_i32_0 : i32, i32, i32
  }
  func.func @transform_3(%arg0: i32) -> i32 {
    %c0_i32 = arith.constant 0 : i32
    %c0_i32_0 = arith.constant 0 : i32
    return %c0_i32 : i32
  }
  func.func @transform_4(%arg0: i32) -> (i32, i32) {
    %c0_i32 = arith.constant 0 : i32
    %c0_i32_0 = arith.constant 0 : i32
    %c0_i32_1 = arith.constant 0 : i32
    return %c0_i32, %c0_i32_0 : i32, i32
  }
  func.func @transform_5(%arg0: i32) -> (i32, i32) {
    %c0_i32 = arith.constant 0 : i32
    %c0_i32_0 = arith.constant 0 : i32
    return %arg0, %c0_i32 : i32, i32
  }
}

</mosaic_0001>

<sc_bundles>
// kernel: kernel.11.cloned.1.call-start
scs
__scs_entry_jumppad:
0x0: {  	(pc) =	sbr.rel $0x88, $3  }
0x1: {  	(tag) =	ssettag $0x0;
	lr =	simm.s32 $0x1  }
0x2: {  	[smem:$0x3F9A] =	sst lr;
	_ =	strace $0xD0000000  }
0x3: {  	_ = 	snop  }
0x4: {  	_ = 	snop  }
0x5: {  	_ = 	snop  }
0x6: {  	_ = 	snop  }
0x7: {  	_ = 	snop  }
__scs_overlays_trampoline_lowered:
0x8: {  	[smem:$0x3FA9] =	sst s0  }
0x9: {  	[smem:$0x3FAA] =	sst s1  }
0xa: {  	[smem:$0x3FAB] =	sst s2  }
0xb: {  	[smem:$0x3FAC] =	sst s3  }
0xc: {  	[smem:$0x3FAD] =	sst s4  }
0xd: {  	[smem:$0x3FAE] =	sst s5  }
0xe: {  	[smem:$0x3FAF] =	sst s6  }
0xf: {  	[smem:$0x3FB0] =	sst s7  }
0x10: {  	[smem:$0x3FB1] =	sst s8  }
0x11: {  	[smem:$0x3FB2] =	sst s9;
	s0 =	simm.s32 @!p0 $0x0  }
0x12: {  	s1 =	sld [smem:$0x3F98];
	s0 =	simm.s32 @p0 $0x1  }
0x13: {  	[smem:$0x3FB3] =	sst s0;
	s0 =	simm.s32 @!p1 $0x0  }
0x14: {  	s2 =	sld [smem:$0x3F97];
	s0 =	simm.s32 @p1 $0x1  }
0x15: {  	[smem:$0x3FB4] =	sst s0;
	s0 =	simm.s32 @!p2 $0x0  }
0x16: {  	s3 =	sld [smem:$0x3FDB];
	s0 =	simm.s32 @p2 $0x1  }
0x17: {  	s4 =	simm.s32 $0x1BF5;
	[smem:$0x3FB6] =	sst s0  }
0x18: {  	s0 =	sld [smem:$0x3F99];
	_ =	swait.ge [sflag:s4], $0x0  }
0x19: {  	s7 =	sld [smem:$0x3F9A]  }
0x1a: {  	s8 =	sadd.s32 $0xFFFFE003, lr  }
0x1b: {  	s9 =	sadd.s32 $0xFFFFFEF7, lr;
	s5 =	simm.s32 $0xFFFFFFFF;
	p2 =	slt.u32 s8, $0xFFFFF086  }
0x1c: {  	p1 =	slt.u32 s9, $0xF7A;
	s5 =	simm.s32 @!p2 $0x0  }
0x1d: {  	s5 =	simm.s32 @p1 $0x1;
	p0 =	seq.s32 s7, s2  }
0x1e: {  	s7 =	smul.u32 @!p0 $0xF7A, s2;
	p2 =	seq.s32 @!p0 s5, $0x0  }
0x1f: {  	s9 =	smul.u32 $0xF7A, s1;
	s8 =	simm.s32 @!p0 $0x1BF5;
	p2 =	por !p2, p0  }
0x20: {  	[sflag:s8] =	ssyncset.s32 @!p0 $0xFFFFF086;
	s6 =	sadd.s32 @!p0 s3, s7;
	s7 =	simm.s32 @!p0 $0x108  }
0x21: {  	s3 =	sadd.s32 s3, s9;
	s6 =	sadd.s32 @!p0 $0x88, s6;
	s7 =	simm.s32 @p2 $0x1082  }
0x22: {  	[simem:s7], [sflag:s8] =	dma.local @!p0 [hbm:s6], $0xF7A  }
0x23: {  	s9 =	sor.u32 $0xD0000000, s2;
	s6 =	simm.s32 $0x108;
	_ =	swait.ge @!p0 [sflag:s8], $0x0  }
0x24: {  	s3 =	sadd.s32 $0x88, s3;
	s6 =	simm.s32 @!p1 $0x1082;
	[sflag:s4] =	ssyncset.s32 $0xFFFFF086  }
0x25: {  	[simem:s6], [sflag:s4] =	dma.local [hbm:s3], $0xF7A  }
0x26: {  	[smem:$0x3F9A] =	sst s1;
	(tag) =	ssettag s2;
	_ =	strace s9  }
0x27: {  	s1 =	sld [smem:$0x3FAA]  }
0x28: {  	s2 =	sld [smem:$0x3FAB]  }
0x29: {  	s4 =	sld [smem:$0x3FAD]  }
0x2a: {  	p0 =	seq.s32 s5, $0x0;
	s5 =	sld [smem:$0x3FAE]  }
0x2b: {  	s6 =	sld [smem:$0x3FAF]  }
0x2c: {  	s7 =	sld [smem:$0x3FB0]  }
0x2d: {  	s3 =	simm.s32 $0x108;
	s8 =	sld [smem:$0x3FB1]  }
0x2e: {  	s3 =	simm.s32 @!p0 $0x1082;
	s9 =	sld [smem:$0x3FB2]  }
0x2f: {  	lr =	sadd.s32 s0, s3;
	s0 =	sld [smem:$0x3FA9]  }
0x30: {  	s3 =	sld [smem:$0x3FAC]  }
0x31: {  	[smem:$0x3FB5] =	sst s10  }
0x32: {  	s10 =	sld [smem:$0x3FB3];
	_ =	sdelay $0x3  }
0x33: {  	p0 =	seq.s32 s10, $0x1;
	s10 =	sld [smem:$0x3FB5];
	_ =	sdelay $0x3  }
0x34: {  	[smem:$0x3FB5] =	sst s10  }
0x35: {  	s10 =	sld [smem:$0x3FB4];
	_ =	sdelay $0x3  }
0x36: {  	p1 =	seq.s32 s10, $0x1;
	s10 =	sld [smem:$0x3FB5];
	_ =	sdelay $0x3  }
0x37: {  	[smem:$0x3FB5] =	sst s10  }
0x38: {  	s10 =	sld [smem:$0x3FB6]  }
0x39: {  	_ = 	snop;
	(pc) =	sbr.ind lr, $3  }
0x3a: {  	_ = 	snop  }
0x3b: {  	_ = 	snop  }
0x3c: {  	p2 =	seq.s32 s10, $0x1;
	s10 =	sld [smem:$0x3FB5]  }
0x3d: {  	_ =	shalt  }
0x3e: {  	_ =	shalt  }
0x3f: {  	_ =	shalt  }
0x40: {  	_ =	shalt  }
0x41: {  	_ =	shalt  }
0x42: {  	_ =	shalt  }
0x43: {  	_ =	shalt  }
0x44: {  	_ =	shalt  }
0x45: {  	_ =	shalt  }
0x46: {  	_ =	shalt  }
0x47: {  	_ =	shalt  }
0x48: {  	_ =	shalt  }
0x49: {  	_ =	shalt  }
0x4a: {  	_ =	shalt  }
0x4b: {  	_ =	shalt  }
0x4c: {  	_ =	shalt  }
0x4d: {  	_ =	shalt  }
0x4e: {  	_ =	shalt  }
0x4f: {  	_ =	shalt  }
0x50: {  	_ =	shalt  }
0x51: {  	_ =	shalt  }
0x52: {  	_ =	shalt  }
0x53: {  	_ =	shalt  }
0x54: {  	_ =	shalt  }
0x55: {  	_ =	shalt  }
0x56: {  	_ =	shalt  }
0x57: {  	_ =	shalt  }
0x58: {  	_ =	shalt  }
0x59: {  	_ =	shalt  }
0x5a: {  	_ =	shalt  }
0x5b: {  	_ =	shalt  }
0x5c: {  	_ =	shalt  }
0x5d: {  	_ =	shalt  }
0x5e: {  	_ =	shalt  }
0x5f: {  	_ =	shalt  }
0x60: {  	_ =	shalt  }
0x61: {  	_ =	shalt  }
0x62: {  	_ =	shalt  }
0x63: {  	_ =	shalt  }
0x64: {  	_ =	shalt  }
0x65: {  	_ =	shalt  }
0x66: {  	_ =	shalt  }
0x67: {  	_ =	shalt  }
0x68: {  	_ =	shalt  }
0x69: {  	_ =	shalt  }
0x6a: {  	_ =	shalt  }
0x6b: {  	_ =	shalt  }
0x6c: {  	_ =	shalt  }
0x6d: {  	_ =	shalt  }
0x6e: {  	_ =	shalt  }
0x6f: {  	_ =	shalt  }
0x70: {  	_ =	shalt  }
0x71: {  	_ =	shalt  }
0x72: {  	_ =	shalt  }
0x73: {  	_ =	shalt  }
0x74: {  	_ =	shalt  }
0x75: {  	_ =	shalt  }
0x76: {  	_ =	shalt  }
0x77: {  	_ =	shalt  }
0x78: {  	_ =	shalt  }
0x79: {  	_ =	shalt  }
0x7a: {  	_ =	shalt  }
0x7b: {  	_ =	shalt  }
0x7c: {  	_ =	shalt  }
0x7d: {  	_ =	shalt  }
0x7e: {  	_ =	shalt  }
0x7f: {  	_ =	shalt  }
0x80: {  	_ =	shalt  }
0x81: {  	_ =	shalt  }
0x82: {  	_ =	shalt  }
0x83: {  	_ =	shalt  }
0x84: {  	_ =	shalt  }
0x85: {  	_ =	shalt  }
0x86: {  	_ =	shalt  }
0x87: {  	_ =	shalt  }
.Lfunc_end0:
.L_simem_size_0:
called_computation.1_lowered:
.L_overlay_start_0:
0x88: {  	s2 =	sld [smem:$0x3FD9]  }
0x89: {  	s3 =	sld [smem:$0x3FFE];
	_ =	sdelay $0x1  }
0x8a: {  	s1 =	srdreg.scid  }
0x8b: {  	s0 =	sand.u32 $0x1, s1  }
0x8c: {  	s17 =	sshll.u32 s0, $0xA;
	s2 =	sadd.s32 s3, s2  }
0x8d: {  	s2 =	sadd.s32 s2, s17  }
0x8e: {  	[smem:$0x3FC1] =	sst s2  }
0x8f: {  	_ = 	snop  }
0x90: {  	s2 =	sld [smem:$0x3FC7]  }
0x91: {  	s18 =	sld [smem:$0x3FD0];
	(tm) =	ssettm $0x1  }
0x92: {  	s4 =	sld [smem:$0x3FFB];
	_ =	sdelay $0x3  }
0x93: {  	_ =	strace s4  }
0x94: {  	s4 =	sld [smem:$0x3FFC];
	_ =	sdelay $0x3  }
0x95: {  	_ =	strace s4  }
0x96: {  	s4 =	sld [smem:$0x3FFD];
	_ =	sdelay $0x3  }
0x97: {  	_ =	strace s4  }
0x98: {  	_ =	strace $0x8FFFFFFF  }
0x99: {  	s19 =	sld [smem:$0x3FDB];
	_ =	sdelay $0x1  }
0x9a: {  	s5 =	simm.s32 $_scs_section_size  }
0x9b: {  	s6 =	simm.s32 $_size__tile_overlayer_lowered;
	s7 =	simm.s32 $_tile_overlayer_lowered  }
0x9c: {  	s22 =	simm.s32 $0x1BFF;
	s21 =	sshll.u32 s7, $0x1;
	s4 =	sadd.s32 s5, s19  }
0x9d: {  	s8 =	simm.s32 $0x0;
	s20 =	sshll.u32 s6, $0x1;
	s6 =	sadd.s32 s21, s4  }
0x9e: {  	[timem:s8], [sflag:s22] =	dma.local [hbm:s6], s20  }
0x9f: {  	_ =	swait.ge [sflag:s22], s20  }
0xa0: {  	s5 =	ssub.s32 $0x0, s20;
	[sflag:s22] =	ssyncset.done $0x0  }
0xa1: {  	[sflag:s22] =	ssyncadd.s32 s5;
	_ =	sdelay $0x1  }
0xa2: {  	s23 =	simm.s32 $0x1B8B  }
0xa3: {  	_ =	swait.ge [sflag:s23], $0x1  }
0xa4: {  	[sflag:s23] =	ssyncset.done $0x0  }
0xa5: {  	s25 =	simm.s32 $0x1B8E;
	s24 =	sld [smem:$0x3FFE];
	[sflag:s23] =	ssyncadd.s32 $0xFFFFFFFF  }
0xa6: {  	s26 =	simm.s32 $execute0_lowered;
	[smem:$0x3FD2] =	sst s25  }
0xa7: {  	s6 =	sshll.u32 s26, $0x1;
	_ =	strace $0x80000049;
	[dreg:$0x1] =	wrdreg $0xFFFFFFFF  }
0xa8: {  	s28 =	simm.s32 $_size_execute0_lowered;
	s4 =	sadd.s32 s4, s6;
	[dreg:$0x0] =	wrdreg $0x0  }
0xa9: {  	s6 =	sshll.u32 s28, $0x1;
	[dreg:$0x2] =	wrdreg s4  }
0xaa: {  	[dreg:$0x3] =	wrdreg s6  }
0xab: {  	[dreg:$0x4] =	wrdreg $0xC0  }
0xac: {  	_ =	task [dreg:s8], $0x5FFFF  }
0xad: {  	[dreg:$0x1] =	wrdreg $0xFFFFFFFF  }
0xae: {  	[dreg:$0x0] =	wrdreg $0x60  }
0xaf: {  	[dreg:$0x2] =	wrdreg s18  }
0xb0: {  	[dreg:$0x3] =	wrdreg s24  }
0xb1: {  	[dreg:$0x4] =	wrdreg s2  }
0xb2: {  	[dreg:$0x5] =	wrdreg $0x41800  }
0xb3: {  	[dreg:$0x6] =	wrdreg $0x9  }
0xb4: {  	_ =	task.clear_ibuf [dreg:s8], $0x7FFFF;
	_ =	strace $0x90000049  }
0xb5: {  	s29 =	simm.s32 $0x9;
	_ =	strace $0x8000004B  }
0xb6: {  	_ =	swait.ge [sflag:s29], $0x1  }
0xb7: {  	[sflag:s29] =	ssyncadd.s32 $0xFFFFFFFF  }
0xb8: {  	_ =	strace $0x9000004B  }
0xb9: {  	_ =	sfence  }
0xba: {  	s30 =	sld [smem:$0x0];
	_ =	sdelay $0x2  }
0xbb: {  	s31 =	sshll.u32 s1, $0xD;
	s1 =	sshrl.u32 s1, $0x2  }
0xbc: {  	s3 =	sand.u32 $0x4000, s31;
	s1 =	sadd.s32 s1, s30  }
0xbd: {  	s0 =	sor.u32 s3, s0;
	s1 =	sshll.u32 s1, $0x11  }
0xbe: {  	s0 =	sor.u32 s1, s0  }
0xbf: {  	s0 =	sadd.s32 $0x8F2B, s0  }
0xc0: {  	[sflag:s0] =	ssyncadd.remote.s32 $0x1  }
0xc1: {  	_ =	sfence.sel $0xFFFF  }
0xc2: {  	[dreg:$0x0] =	wrdreg $0xFFFFFFFF;
	(pc) =	sbr.abs _section_cstart, $3  }
0xc3: {  	[dreg:$0x1] =	wrdreg $0xFFFFFFFF  }
0xc4: {  	_ =	task.clear_ibuf [dreg:s8], $0x2FFFF;
	_ =	strace $0x9FFFFFFF  }
0xc5: {  	(tm) =	ssettm $0x7FFFFFFF  }
tec
execute0_lowered:
.L_overlay_start_1:
0x0: {  	(tag) =	ssettag $0x1  }
0x1: {  	s1 =	rddreg [dreg:$0x0]  }
0x2: {  	s9 =	rddreg [dreg:$0x1]  }
0x3: {  	s2 =	rddreg [dreg:$0x2]  }
0x4: {  	s3 =	rddreg [dreg:$0x3];
	s4 =	srdreg.scid  }
0x5: {  	s0 =	rddreg [dreg:$0x4];
	s6 =	simm.s32 $0x0;
	s17 =	simm.s32 $0x180  }
0x6: {  	s18 =	simm.s32 $0x2;
	s19 =	simm.s32 $0x3;
	s20 =	simm.s32 $0x80  }
0x7: {  	s21 =	simm.s32 $0x100;
	s5 =	sand.u32 $0x1, s4;
	s4 =	stileid.u32  }
0x8: {  	s22 =	simm.s32 $0x1;
	[smem:$0x7FF] =	sst s6;
	s8 =	smul.u32 $0x13C000, s5  }
0x9: {  	s7 =	sadd.s32 $0x2800, s9;
	s10 =	smul.u32 $0x13C00, s4;
	s12 =	ssub.s32 $0x2, s5  }
0xa: {  	_ =	strace $0x8000004A;
	s11 =	smul.u32 $0x4F000, s4;
	s30 =	sshrl.u32 s12, $0x1  }
.Ltmp0:
0xb: {  	s10 =	sadd.s32 s10, s8;
	s8 =	sadd.s32 $0xC600, s9;
	(pc) =	sbr.rel .LBB2_1-.Ltmp0, $4  }
0xc: {  	s31 =	sshrl.u32 s11, $0x2;
	s16 =	ssub.s32 s12, s30;
	s10 =	sshrl.u32 s10, $0x3  }
0xd: {  	s16 =	smax.u32 s16, $0x1;
	s15 =	sadd.s32 s10, s9;
	s10 =	sadd.s32 s31, s3  }
0xe: {  	s9 =	sshll.u32 s4, $0x1;
	s11 =	sadd.s32 $0x4000, s10;
	s12 =	sadd.s32 $0x8000, s10  }
0xf: {  	v0 =	vimm.f32 $0.0e+00;
	s13 =	sadd.s32 $0xC000, s10;
	s14 =	sadd.s32 $0x10000, s10;
	s15 =	sadd.s32 $0x65400, s15  }
.LBB2_9:
0x10: {  	s6 =	sadd.s32 $0x1, s6  }
0x11: {  	s23 =	sshll.u32 s4, $0x6;
	[bflag:$0x0] =	sbarrier.arrive $0xFFFF;
	p0 =	sne.s32 s6, s16  }
.Ltmp1:
0x12: {  	s24 =	sshrl.u32 s10, $0x3;
	s23 =	sor.u32 $0x1C02, s23;
	(pc) =	sbr.rel @!p0 .LBB2_10-.Ltmp1, $4  }
0x13: {  	[hbm:s15], [sflag:s23] =	dma.local [spmem:s24], $0x2780  }
0x14: {  	_ =	swait.ge [sflag:s18], $0x2780  }
0x15: {  	[sflag:s18] =	ssyncset.done $0x0  }
0x16: {  	[sflag:s18] =	ssyncadd.s32 $0xFFFFD880  }
.LBB2_1:
0x17: {  	s23 =	simm.s32 $0x0;
	s24 =	simm.s32 $0x200  }
.LBB2_2:
0x18: {  	p0 =	sne.s32 s24, $0xFE00;
	[tilespmem:s23+$0x1F0] =	vst v0  }
0x19: {  	[tilespmem:s23+$0x180] =	vst v0  }
0x1a: {  	[tilespmem:s23+$0x190] =	vst v0  }
.Ltmp2:
0x1b: {  	[tilespmem:s23+$0x1A0] =	vst v0;
	(pc) =	sbr.rel @p0 .LBB2_2-.Ltmp2, $4  }
0x1c: {  	[tilespmem:s23+$0x1B0] =	vst v0  }
0x1d: {  	[tilespmem:s23+$0x1C0] =	vst v0  }
0x1e: {  	[tilespmem:s23+$0x1D0] =	vst v0  }
0x1f: {  	[tilespmem:s23+$0x1E0] =	vst v0;
	s23 =	sshra.s32 s24, $0x2;
	s24 =	sadd.s32 $0x200, s24  }
0x20: {  	[tilespmem:s23+$0x1F0] =	vst v0  }
0x21: {  	[tilespmem:s23+$0x180] =	vst v0  }
0x22: {  	[tilespmem:s23+$0x190] =	vst v0  }
0x23: {  	[tilespmem:s23+$0x1A0] =	vst v0  }
0x24: {  	[tilespmem:s23+$0x1B0] =	vst v0  }
0x25: {  	[tilespmem:s23+$0x1C0] =	vst v0  }
0x26: {  	[tilespmem:s23+$0x1D0] =	vst v0  }
0x27: {  	[tilespmem:s23+$0x1E0] =	vst v0  }
0x28: {  	[spmem:s10] =	stream.linear.scatter [tilespmem:s17], [sflag:$0x2], $0x4000, $0x38;
	[tilespmem:$0x17D80] =	vst v63  }
0x29: {  	_ =	swait.ge [sflag:s18], $0x4000  }
0x2a: {  	[sflag:s18] =	ssyncset.done $0x0  }
0x2b: {  	[sflag:s18] =	ssyncadd.s32 $0xFFFFC000  }
0x2c: {  	[spmem:s11] =	stream.linear.scatter [tilespmem:s17], [sflag:$0x2], $0x4000, $0x38;
	[tilespmem:$0x17D80] =	vst v63  }
0x2d: {  	_ =	swait.ge [sflag:s18], $0x4000  }
0x2e: {  	[sflag:s18] =	ssyncset.done $0x0  }
0x2f: {  	[sflag:s18] =	ssyncadd.s32 $0xFFFFC000  }
0x30: {  	[spmem:s12] =	stream.linear.scatter [tilespmem:s17], [sflag:$0x2], $0x4000, $0x38;
	[tilespmem:$0x17D80] =	vst v63  }
0x31: {  	_ =	swait.ge [sflag:s18], $0x4000  }
0x32: {  	[sflag:s18] =	ssyncset.done $0x0  }
0x33: {  	[sflag:s18] =	ssyncadd.s32 $0xFFFFC000  }
0x34: {  	[spmem:s13] =	stream.linear.scatter [tilespmem:s17], [sflag:$0x2], $0x4000, $0x38;
	[tilespmem:$0x17D80] =	vst v63  }
0x35: {  	_ =	swait.ge [sflag:s18], $0x4000  }
0x36: {  	[sflag:s18] =	ssyncset.done $0x0  }
0x37: {  	[sflag:s18] =	ssyncadd.s32 $0xFFFFC000  }
0x38: {  	[spmem:s14] =	stream.linear.scatter [tilespmem:s17], [sflag:$0x2], $0x3C00, $0x38;
	[tilespmem:$0x17D80] =	vst v63  }
.Ltmp3:
0x39: {  	_ =	swait.ge [sflag:s18], $0x3C00;
	(pc) =	sbr.rel .LBB2_4-.Ltmp3, $4  }
0x3a: {  	[sflag:s18] =	ssyncset.done $0x0  }
0x3b: {  	[sflag:s18] =	ssyncadd.s32 $0xFFFFC400  }
0x3c: {  	[bflag:$0x0] =	sbarrier.arrive $0xFFFF  }
0x3d: {  	s23 =	simm.s32 $0x0  }
.LBB2_8:
0x3e: {  	s23 =	sadd.s32 $0x1, s23  }
0x3f: {  	p0 =	sne.s32 s23, $0x4F  }
.Ltmp4:
0x40: {  	_ = 	snop;
	(pc) =	sbr.rel @!p0 .LBB2_9-.Ltmp4, $1  }
0x41: {  	_ =	sdelay $0x3  }
.LBB2_4:
0x42: {  	s24 =	sshll.u32 s23, $0x5  }
0x43: {  	s24 =	sor.u32 s9, s24  }
0x44: {  	p0 =	sgt.u32 s24, $0x9C3  }
.Ltmp5:
0x45: {  	_ = 	snop;
	(pc) =	sbr.rel @p0 .LBB2_8-.Ltmp5, $1  }
0x46: {  	_ =	sdelay $0x3  }
0x47: {  	s24 =	sor.u32 s5, s24  }
0x48: {  	s24 =	sshll.u32 s24, $0x4  }
0x49: {  	s26 =	simm.s32 $0x0;
	s25 =	sadd.s32 s7, s24  }
0x4a: {  	[tilespmem:s26], [sflag:$0x3] =	stream.linear.gather [hbm4b:s25+s26], $0x80, $0x38;
	[tilespmem:$0x17D80] =	vst v63  }
0x4b: {  	_ =	swait.ge [sflag:s19], $0x80  }
0x4c: {  	[sflag:s19] =	ssyncset.done $0x0  }
0x4d: {  	s31 =	sadd.s32 s8, s24;
	[sflag:s19] =	ssyncadd.s32 $0xFFFFFF80  }
0x4e: {  	[tilespmem:s20], [sflag:$0x3] =	stream.linear.gather [hbm4b:s31+s26], $0x80, $0x38;
	[tilespmem:$0x17D80] =	vst v63  }
0x4f: {  	_ =	swait.ge [sflag:s19], $0x80  }
0x50: {  	[sflag:s19] =	ssyncset.done $0x0  }
0x51: {  	s24 =	sadd.s32 s2, s24;
	[sflag:s19] =	ssyncadd.s32 $0xFFFFFF80  }
0x52: {  	[tilespmem:s21], [sflag:$0x3] =	stream.linear.gather [hbm4b:s24+s26], $0x80, $0x38;
	[tilespmem:$0x17D80] =	vst v63  }
0x53: {  	_ =	swait.ge [sflag:s19], $0x80  }
0x54: {  	[sflag:s19] =	ssyncset.done $0x0  }
0x55: {  	[sflag:s19] =	ssyncadd.s32 $0xFFFFFF80  }
0x56: {  	[tilespmem:s17], [sflag:$0x1] =	stream.indirect.gather [hbm4b:s1+s20], $0x80, s26, s20, $0xb8;
	[tilespmem:$0x17D80] =	vst v63  }
0x57: {  	_ =	swait.ge [sflag:s22], $0x4000  }
0x58: {  	v1 =	vmov s26;
	[sflag:s22] =	ssyncset.done $0x0  }
0x59: {  	s24 =	simm.s32 $0x1C0;
	[sflag:s22] =	ssyncadd.s32 $0xFFFFC000  }
0x5a: {  	v5 =	vld [tilespmem:s24+$0x30]  }
0x5b: {  	v8 =	vld [tilespmem:s24+$0x10]  }
0x5c: {  	v6 =	vld [tilespmem:s24+$0xFFFFFFC0]  }
0x5d: {  	v2 =	vld.idx.msk [tilespmem:v1+s21+$0x0], $0xffff  }
0x5e: {  	v10 =	vld [tilespmem:s24+$0xFFFFFFE0]  }
0x5f: {  	v1 =	vld [tilespmem:s24+$0xFFFFFFF0]  }
0x60: {  	v3 =	vld [tilespmem:s24+$0x20]  }
0x61: {  	v4 =	vld [tilespmem:s24+$0xFFFFFFD0]  }
0x62: {  	v9 =	vmul.f32 v5, v2;
	v5 =	vld [tilespmem:s24+$0x0]  }
0x63: {  	v7 =	vmul.f32 v6, v2  }
0x64: {  	s25 =	simm.s32 $0x1;
	s26 =	simm.s32 $0x1C0;
	v6 =	vmul.f32 v10, v2;
	v8 =	vmul.f32 v8, v2  }
.LBB2_6:
0x65: {  	p0 =	sne.s32 s25, $0x7F  }
0x66: {  	v4 =	vmul.f32 v4, v2;
	v3 =	vmul.f32 v3, v2;
	[tilespmem:s24+$0x30] =	vst v9;
	s26 =	sadd.s32 $0x80, s26;
	s28 =	smov.u32 s25;
	s25 =	sadd.s32 $0x1, s25  }
0x67: {  	[tilespmem:s24+$0xFFFFFFC0] =	vst v7;
	v7 =	vmul.f32 v1, v2;
	v2 =	vmul.f32 v5, v2  }
0x68: {  	[tilespmem:s24+$0x10] =	vst v8  }
0x69: {  	v5 =	vmov s28;
	[tilespmem:s24+$0xFFFFFFE0] =	vst v6  }
0x6a: {  	v1 =	vld [tilespmem:s26+$0xFFFFFFF0];
	[tilespmem:s24+$0xFFFFFFF0] =	vst v7  }
0x6b: {  	v6 =	vld [tilespmem:s26+$0x30];
	[tilespmem:s24+$0x0] =	vst v2  }
0x6c: {  	v8 =	vld [tilespmem:s26+$0x10];
	[tilespmem:s24+$0x20] =	vst v3  }
0x6d: {  	v7 =	vld [tilespmem:s26+$0xFFFFFFC0];
	[tilespmem:s24+$0xFFFFFFD0] =	vst v4;
	s24 =	smov.u32 s26  }
0x6e: {  	v2 =	vld.idx.msk [tilespmem:v5+s21+$0x0], $0xffff  }
0x6f: {  	v10 =	vld [tilespmem:s26+$0xFFFFFFE0]  }
0x70: {  	v3 =	vld [tilespmem:s26+$0x20]  }
.Ltmp6:
0x71: {  	v4 =	vld [tilespmem:s26+$0xFFFFFFD0];
	(pc) =	sbr.rel @p0 .LBB2_6-.Ltmp6, $3  }
0x72: {  	v5 =	vld [tilespmem:s26+$0x0];
	_ =	sdelay $0x1  }
0x73: {  	v7 =	vmul.f32 v7, v2;
	v9 =	vmul.f32 v6, v2  }
0x74: {  	v8 =	vmul.f32 v8, v2;
	v6 =	vmul.f32 v10, v2  }
0x75: {  	[tilespmem:s24+$0x30] =	vst v9  }
0x76: {  	[tilespmem:s24+$0xFFFFFFC0] =	vst v7  }
0x77: {  	v1 =	vmul.f32 v1, v2;
	[tilespmem:s24+$0x10] =	vst v8  }
0x78: {  	v3 =	vmul.f32 v3, v2;
	[tilespmem:s24+$0xFFFFFFE0] =	vst v6  }
0x79: {  	v5 =	vmul.f32 v5, v2;
	[tilespmem:s24+$0xFFFFFFF0] =	vst v1  }
0x7a: {  	v1 =	vmul.f32 v4, v2;
	[tilespmem:s24+$0x20] =	vst v3  }
0x7b: {  	[tilespmem:s24+$0x0] =	vst v5  }
.Ltmp7:
0x7c: {  	[tilespmem:s24+$0xFFFFFFD0] =	vst v1;
	(pc) =	sbr.rel .LBB2_8-.Ltmp7, $4  }
0x7d: {  	[spmem:s3] =	stream.indirect.scatter.add.f32 [tilespmem:s17], [sflag:$0x2], $0x80, s20, s20, $0xb8;
	[tilespmem:$0x17D80] =	vst v63  }
0x7e: {  	_ =	swait.ge [sflag:s18], $0x4000  }
0x7f: {  	[sflag:s18] =	ssyncset.done $0x0  }
0x80: {  	[sflag:s18] =	ssyncadd.s32 $0xFFFFC000  }
.LBB2_10:
0x81: {  	_ =	sfence.sel $0x180000  }
0x82: {  	[bflag:$0x0] =	sbarrier.arrive $0xFFFF  }
0x83: {  	p0 =	sne.s32 s4, $0x0;
	_ =	strace $0x9000004A  }
0x84: {  	s0 =	sadd.s32 @!p0 $0x100000, s0;
	[bflag:$0x2] =	sbarrier.arrive $0xFFFF  }
0x85: {  	[sflag:s0] =	ssyncadd.tile.s32 @!p0 $0x1;
	_ =	shalt  }
.Lfunc_end2:
_tile_overlayer_lowered:
.L_overlay_start_2:
0x86: {  	(tag) =	ssettag $0x2  }
0x87: {  	s0 =	rddreg [dreg:$0x0];
	s2 =	stileid.u32  }
0x88: {  	s1 =	rddreg [dreg:$0x1];
	p0 =	sne.s32 s2, $0x0  }
0x89: {  	s3 =	rddreg [dreg:$0x2];
	[bflag:$0x3] =	sbarrier.arrive $0xFFFF;
	s2 =	simm.s32 @!p0 $0x1C02  }
0x8a: {  	[timem:s3], [sflag:s2] =	dma.local @!p0 [hbm:s0], s1  }
0x8b: {  	s0 =	simm.s32 @!p0 $0x2  }
0x8c: {  	_ =	swait.ge @!p0 [sflag:s0], s1  }
0x8d: {  	s1 =	ssub.s32 @!p0 $0x0, s1;
	[sflag:s0] =	ssyncset.done @!p0 $0x0  }
0x8e: {  	[sflag:s0] =	ssyncadd.s32 @!p0 s1  }
0x8f: {  	[bflag:$0x3] =	sbarrier.arrive $0xFFFF  }
0x90: {  	_ =	shalt  }

// kernel: kernel.14.cloned.1.call-start
scs
__scs_entry_jumppad:
0x0: {  	(pc) =	sbr.rel $0x88, $3  }
0x1: {  	(tag) =	ssettag $0x0;
	lr =	simm.s32 $0x1  }
0x2: {  	[smem:$0x3F9A] =	sst lr;
	_ =	strace $0xD0000000  }
0x3: {  	_ = 	snop  }
0x4: {  	_ = 	snop  }
0x5: {  	_ = 	snop  }
0x6: {  	_ = 	snop  }
0x7: {  	_ = 	snop  }
__scs_overlays_trampoline_lowered:
0x8: {  	[smem:$0x3FA9] =	sst s0  }
0x9: {  	[smem:$0x3FAA] =	sst s1  }
0xa: {  	[smem:$0x3FAB] =	sst s2  }
0xb: {  	[smem:$0x3FAC] =	sst s3  }
0xc: {  	[smem:$0x3FAD] =	sst s4  }
0xd: {  	[smem:$0x3FAE] =	sst s5  }
0xe: {  	[smem:$0x3FAF] =	sst s6  }
0xf: {  	[smem:$0x3FB0] =	sst s7  }
0x10: {  	[smem:$0x3FB1] =	sst s8  }
0x11: {  	[smem:$0x3FB2] =	sst s9;
	s0 =	simm.s32 @!p0 $0x0  }
0x12: {  	s1 =	sld [smem:$0x3F98];
	s0 =	simm.s32 @p0 $0x1  }
0x13: {  	[smem:$0x3FB3] =	sst s0;
	s0 =	simm.s32 @!p1 $0x0  }
0x14: {  	s2 =	sld [smem:$0x3F97];
	s0 =	simm.s32 @p1 $0x1  }
0x15: {  	[smem:$0x3FB4] =	sst s0;
	s0 =	simm.s32 @!p2 $0x0  }
0x16: {  	s3 =	sld [smem:$0x3FDB];
	s0 =	simm.s32 @p2 $0x1  }
0x17: {  	s4 =	simm.s32 $0x1BF5;
	[smem:$0x3FB6] =	sst s0  }
0x18: {  	s0 =	sld [smem:$0x3F99];
	_ =	swait.ge [sflag:s4], $0x0  }
0x19: {  	s7 =	sld [smem:$0x3F9A]  }
0x1a: {  	s8 =	sadd.s32 $0xFFFFE003, lr  }
0x1b: {  	s9 =	sadd.s32 $0xFFFFFEF7, lr;
	s5 =	simm.s32 $0xFFFFFFFF;
	p2 =	slt.u32 s8, $0xFFFFF086  }
0x1c: {  	p1 =	slt.u32 s9, $0xF7A;
	s5 =	simm.s32 @!p2 $0x0  }
0x1d: {  	s5 =	simm.s32 @p1 $0x1;
	p0 =	seq.s32 s7, s2  }
0x1e: {  	s7 =	smul.u32 @!p0 $0xF7A, s2;
	p2 =	seq.s32 @!p0 s5, $0x0  }
0x1f: {  	s9 =	smul.u32 $0xF7A, s1;
	s8 =	simm.s32 @!p0 $0x1BF5;
	p2 =	por !p2, p0  }
0x20: {  	[sflag:s8] =	ssyncset.s32 @!p0 $0xFFFFF086;
	s6 =	sadd.s32 @!p0 s3, s7;
	s7 =	simm.s32 @!p0 $0x108  }
0x21: {  	s3 =	sadd.s32 s3, s9;
	s6 =	sadd.s32 @!p0 $0x88, s6;
	s7 =	simm.s32 @p2 $0x1082  }
0x22: {  	[simem:s7], [sflag:s8] =	dma.local @!p0 [hbm:s6], $0xF7A  }
0x23: {  	s9 =	sor.u32 $0xD0000000, s2;
	s6 =	simm.s32 $0x108;
	_ =	swait.ge @!p0 [sflag:s8], $0x0  }
0x24: {  	s3 =	sadd.s32 $0x88, s3;
	s6 =	simm.s32 @!p1 $0x1082;
	[sflag:s4] =	ssyncset.s32 $0xFFFFF086  }
0x25: {  	[simem:s6], [sflag:s4] =	dma.local [hbm:s3], $0xF7A  }
0x26: {  	[smem:$0x3F9A] =	sst s1;
	(tag) =	ssettag s2;
	_ =	strace s9  }
0x27: {  	s1 =	sld [smem:$0x3FAA]  }
0x28: {  	s2 =	sld [smem:$0x3FAB]  }
0x29: {  	s4 =	sld [smem:$0x3FAD]  }
0x2a: {  	p0 =	seq.s32 s5, $0x0;
	s5 =	sld [smem:$0x3FAE]  }
0x2b: {  	s6 =	sld [smem:$0x3FAF]  }
0x2c: {  	s7 =	sld [smem:$0x3FB0]  }
0x2d: {  	s3 =	simm.s32 $0x108;
	s8 =	sld [smem:$0x3FB1]  }
0x2e: {  	s3 =	simm.s32 @!p0 $0x1082;
	s9 =	sld [smem:$0x3FB2]  }
0x2f: {  	lr =	sadd.s32 s0, s3;
	s0 =	sld [smem:$0x3FA9]  }
0x30: {  	s3 =	sld [smem:$0x3FAC]  }
0x31: {  	[smem:$0x3FB5] =	sst s10  }
0x32: {  	s10 =	sld [smem:$0x3FB3];
	_ =	sdelay $0x3  }
0x33: {  	p0 =	seq.s32 s10, $0x1;
	s10 =	sld [smem:$0x3FB5];
	_ =	sdelay $0x3  }
0x34: {  	[smem:$0x3FB5] =	sst s10  }
0x35: {  	s10 =	sld [smem:$0x3FB4];
	_ =	sdelay $0x3  }
0x36: {  	p1 =	seq.s32 s10, $0x1;
	s10 =	sld [smem:$0x3FB5];
	_ =	sdelay $0x3  }
0x37: {  	[smem:$0x3FB5] =	sst s10  }
0x38: {  	s10 =	sld [smem:$0x3FB6]  }
0x39: {  	_ = 	snop;
	(pc) =	sbr.ind lr, $3  }
0x3a: {  	_ = 	snop  }
0x3b: {  	_ = 	snop  }
0x3c: {  	p2 =	seq.s32 s10, $0x1;
	s10 =	sld [smem:$0x3FB5]  }
0x3d: {  	_ =	shalt  }
0x3e: {  	_ =	shalt  }
0x3f: {  	_ =	shalt  }
0x40: {  	_ =	shalt  }
0x41: {  	_ =	shalt  }
0x42: {  	_ =	shalt  }
0x43: {  	_ =	shalt  }
0x44: {  	_ =	shalt  }
0x45: {  	_ =	shalt  }
0x46: {  	_ =	shalt  }
0x47: {  	_ =	shalt  }
0x48: {  	_ =	shalt  }
0x49: {  	_ =	shalt  }
0x4a: {  	_ =	shalt  }
0x4b: {  	_ =	shalt  }
0x4c: {  	_ =	shalt  }
0x4d: {  	_ =	shalt  }
0x4e: {  	_ =	shalt  }
0x4f: {  	_ =	shalt  }
0x50: {  	_ =	shalt  }
0x51: {  	_ =	shalt  }
0x52: {  	_ =	shalt  }
0x53: {  	_ =	shalt  }
0x54: {  	_ =	shalt  }
0x55: {  	_ =	shalt  }
0x56: {  	_ =	shalt  }
0x57: {  	_ =	shalt  }
0x58: {  	_ =	shalt  }
0x59: {  	_ =	shalt  }
0x5a: {  	_ =	shalt  }
0x5b: {  	_ =	shalt  }
0x5c: {  	_ =	shalt  }
0x5d: {  	_ =	shalt  }
0x5e: {  	_ =	shalt  }
0x5f: {  	_ =	shalt  }
0x60: {  	_ =	shalt  }
0x61: {  	_ =	shalt  }
0x62: {  	_ =	shalt  }
0x63: {  	_ =	shalt  }
0x64: {  	_ =	shalt  }
0x65: {  	_ =	shalt  }
0x66: {  	_ =	shalt  }
0x67: {  	_ =	shalt  }
0x68: {  	_ =	shalt  }
0x69: {  	_ =	shalt  }
0x6a: {  	_ =	shalt  }
0x6b: {  	_ =	shalt  }
0x6c: {  	_ =	shalt  }
0x6d: {  	_ =	shalt  }
0x6e: {  	_ =	shalt  }
0x6f: {  	_ =	shalt  }
0x70: {  	_ =	shalt  }
0x71: {  	_ =	shalt  }
0x72: {  	_ =	shalt  }
0x73: {  	_ =	shalt  }
0x74: {  	_ =	shalt  }
0x75: {  	_ =	shalt  }
0x76: {  	_ =	shalt  }
0x77: {  	_ =	shalt  }
0x78: {  	_ =	shalt  }
0x79: {  	_ =	shalt  }
0x7a: {  	_ =	shalt  }
0x7b: {  	_ =	shalt  }
0x7c: {  	_ =	shalt  }
0x7d: {  	_ =	shalt  }
0x7e: {  	_ =	shalt  }
0x7f: {  	_ =	shalt  }
0x80: {  	_ =	shalt  }
0x81: {  	_ =	shalt  }
0x82: {  	_ =	shalt  }
0x83: {  	_ =	shalt  }
0x84: {  	_ =	shalt  }
0x85: {  	_ =	shalt  }
0x86: {  	_ =	shalt  }
0x87: {  	_ =	shalt  }
.Lfunc_end0:
.L_simem_size_0:
called_computation.2_lowered:
.L_overlay_start_0:
0x88: {  	s2 =	sld [smem:$0x3FD9]  }
0x89: {  	s3 =	sld [smem:$0x3FFE];
	_ =	sdelay $0x1  }
0x8a: {  	s1 =	srdreg.scid  }
0x8b: {  	s0 =	sand.u32 $0x1, s1  }
0x8c: {  	s17 =	sshll.u32 s0, $0xA;
	s2 =	sadd.s32 s3, s2  }
0x8d: {  	s2 =	sadd.s32 s2, s17  }
0x8e: {  	[smem:$0x3FC1] =	sst s2  }
0x8f: {  	_ = 	snop  }
0x90: {  	s2 =	sld [smem:$0x3FC7]  }
0x91: {  	s18 =	sld [smem:$0x3FD0];
	(tm) =	ssettm $0x1  }
0x92: {  	s4 =	sld [smem:$0x3FFB];
	_ =	sdelay $0x3  }
0x93: {  	_ =	strace s4  }
0x94: {  	s4 =	sld [smem:$0x3FFC];
	_ =	sdelay $0x3  }
0x95: {  	_ =	strace s4  }
0x96: {  	s4 =	sld [smem:$0x3FFD];
	_ =	sdelay $0x3  }
0x97: {  	_ =	strace s4  }
0x98: {  	_ =	strace $0x8FFFFFFF  }
0x99: {  	s19 =	sld [smem:$0x3FDB];
	_ =	sdelay $0x1  }
0x9a: {  	s5 =	simm.s32 $_scs_section_size  }
0x9b: {  	s6 =	simm.s32 $_size__tile_overlayer_lowered;
	s7 =	simm.s32 $_tile_overlayer_lowered  }
0x9c: {  	s22 =	simm.s32 $0x1BFF;
	s21 =	sshll.u32 s7, $0x1;
	s4 =	sadd.s32 s5, s19  }
0x9d: {  	s8 =	simm.s32 $0x0;
	s20 =	sshll.u32 s6, $0x1;
	s6 =	sadd.s32 s21, s4  }
0x9e: {  	[timem:s8], [sflag:s22] =	dma.local [hbm:s6], s20  }
0x9f: {  	_ =	swait.ge [sflag:s22], s20  }
0xa0: {  	s5 =	ssub.s32 $0x0, s20;
	[sflag:s22] =	ssyncset.done $0x0  }
0xa1: {  	[sflag:s22] =	ssyncadd.s32 s5;
	_ =	sdelay $0x1  }
0xa2: {  	s23 =	simm.s32 $0x1B8B  }
0xa3: {  	_ =	swait.ge [sflag:s23], $0x1  }
0xa4: {  	[sflag:s23] =	ssyncset.done $0x0  }
0xa5: {  	s25 =	simm.s32 $0x1B8E;
	s24 =	sld [smem:$0x3FFE];
	[sflag:s23] =	ssyncadd.s32 $0xFFFFFFFF  }
0xa6: {  	s26 =	simm.s32 $execute0_lowered;
	[smem:$0x3FD2] =	sst s25  }
0xa7: {  	s6 =	sshll.u32 s26, $0x1;
	_ =	strace $0x8000004C;
	[dreg:$0x1] =	wrdreg $0xFFFFFFFF  }
0xa8: {  	s28 =	simm.s32 $_size_execute0_lowered;
	s4 =	sadd.s32 s4, s6;
	[dreg:$0x0] =	wrdreg $0x0  }
0xa9: {  	s6 =	sshll.u32 s28, $0x1;
	[dreg:$0x2] =	wrdreg s4  }
0xaa: {  	[dreg:$0x3] =	wrdreg s6  }
0xab: {  	[dreg:$0x4] =	wrdreg $0xC0  }
0xac: {  	_ =	task [dreg:s8], $0x5FFFF  }
0xad: {  	[dreg:$0x1] =	wrdreg $0xFFFFFFFF  }
0xae: {  	[dreg:$0x0] =	wrdreg $0x60  }
0xaf: {  	[dreg:$0x2] =	wrdreg s18  }
0xb0: {  	[dreg:$0x3] =	wrdreg s24  }
0xb1: {  	[dreg:$0x4] =	wrdreg s2  }
0xb2: {  	[dreg:$0x5] =	wrdreg $0x41800  }
0xb3: {  	[dreg:$0x6] =	wrdreg $0x9  }
0xb4: {  	_ =	task.clear_ibuf [dreg:s8], $0x7FFFF;
	_ =	strace $0x9000004C  }
0xb5: {  	s29 =	simm.s32 $0x9;
	_ =	strace $0x8000004E  }
0xb6: {  	_ =	swait.ge [sflag:s29], $0x1  }
0xb7: {  	[sflag:s29] =	ssyncadd.s32 $0xFFFFFFFF  }
0xb8: {  	_ =	strace $0x9000004E  }
0xb9: {  	_ =	sfence  }
0xba: {  	s30 =	sld [smem:$0x0];
	_ =	sdelay $0x2  }
0xbb: {  	s31 =	sshll.u32 s1, $0xD;
	s1 =	sshrl.u32 s1, $0x2  }
0xbc: {  	s3 =	sand.u32 $0x4000, s31;
	s1 =	sadd.s32 s1, s30  }
0xbd: {  	s0 =	sor.u32 s3, s0;
	s1 =	sshll.u32 s1, $0x11  }
0xbe: {  	s0 =	sor.u32 s1, s0  }
0xbf: {  	s0 =	sadd.s32 $0x8F2B, s0  }
0xc0: {  	[sflag:s0] =	ssyncadd.remote.s32 $0x1  }
0xc1: {  	_ =	sfence.sel $0xFFFF  }
0xc2: {  	[dreg:$0x0] =	wrdreg $0xFFFFFFFF;
	(pc) =	sbr.abs _section_cstart, $3  }
0xc3: {  	[dreg:$0x1] =	wrdreg $0xFFFFFFFF  }
0xc4: {  	_ =	task.clear_ibuf [dreg:s8], $0x2FFFF;
	_ =	strace $0x9FFFFFFF  }
0xc5: {  	(tm) =	ssettm $0x7FFFFFFF  }
tec
execute0_lowered:
.L_overlay_start_1:
0x0: {  	(tag) =	ssettag $0x1  }
0x1: {  	s1 =	rddreg [dreg:$0x0]  }
0x2: {  	s9 =	rddreg [dreg:$0x1]  }
0x3: {  	s2 =	rddreg [dreg:$0x2]  }
0x4: {  	s3 =	rddreg [dreg:$0x3];
	s4 =	srdreg.scid  }
0x5: {  	s0 =	rddreg [dreg:$0x4];
	s6 =	simm.s32 $0x0;
	s17 =	simm.s32 $0x180  }
0x6: {  	s18 =	simm.s32 $0x2;
	s19 =	simm.s32 $0x3;
	s20 =	simm.s32 $0x80  }
0x7: {  	s21 =	simm.s32 $0x100;
	s5 =	sand.u32 $0x1, s4;
	s4 =	stileid.u32  }
0x8: {  	s22 =	simm.s32 $0x1;
	[smem:$0x7FF] =	sst s6;
	s8 =	smul.u32 $0x13C000, s5  }
0x9: {  	s7 =	sadd.s32 $0x2800, s9;
	s10 =	smul.u32 $0x13C00, s4;
	s12 =	ssub.s32 $0x2, s5  }
0xa: {  	_ =	strace $0x8000004D;
	s11 =	smul.u32 $0x4F000, s4;
	s30 =	sshrl.u32 s12, $0x1  }
.Ltmp0:
0xb: {  	s10 =	sadd.s32 s10, s8;
	s8 =	sadd.s32 $0xC600, s9;
	(pc) =	sbr.rel .LBB2_1-.Ltmp0, $4  }
0xc: {  	s31 =	sshrl.u32 s11, $0x2;
	s16 =	ssub.s32 s12, s30;
	s10 =	sshrl.u32 s10, $0x3  }
0xd: {  	s16 =	smax.u32 s16, $0x1;
	s15 =	sadd.s32 s10, s9;
	s10 =	sadd.s32 s31, s3  }
0xe: {  	s9 =	sshll.u32 s4, $0x1;
	s11 =	sadd.s32 $0x4000, s10;
	s12 =	sadd.s32 $0x8000, s10  }
0xf: {  	v0 =	vimm.f32 $0.0e+00;
	s13 =	sadd.s32 $0xC000, s10;
	s14 =	sadd.s32 $0x10000, s10;
	s15 =	sadd.s32 $0x65400, s15  }
.LBB2_9:
0x10: {  	s6 =	sadd.s32 $0x1, s6  }
0x11: {  	s23 =	sshll.u32 s4, $0x6;
	[bflag:$0x0] =	sbarrier.arrive $0xFFFF;
	p0 =	sne.s32 s6, s16  }
.Ltmp1:
0x12: {  	s24 =	sshrl.u32 s10, $0x3;
	s23 =	sor.u32 $0x1C02, s23;
	(pc) =	sbr.rel @!p0 .LBB2_10-.Ltmp1, $4  }
0x13: {  	[hbm:s15], [sflag:s23] =	dma.local [spmem:s24], $0x2780  }
0x14: {  	_ =	swait.ge [sflag:s18], $0x2780  }
0x15: {  	[sflag:s18] =	ssyncset.done $0x0  }
0x16: {  	[sflag:s18] =	ssyncadd.s32 $0xFFFFD880  }
.LBB2_1:
0x17: {  	s23 =	simm.s32 $0x0;
	s24 =	simm.s32 $0x200  }
.LBB2_2:
0x18: {  	p0 =	sne.s32 s24, $0xFE00;
	[tilespmem:s23+$0x1F0] =	vst v0  }
0x19: {  	[tilespmem:s23+$0x180] =	vst v0  }
0x1a: {  	[tilespmem:s23+$0x190] =	vst v0  }
.Ltmp2:
0x1b: {  	[tilespmem:s23+$0x1A0] =	vst v0;
	(pc) =	sbr.rel @p0 .LBB2_2-.Ltmp2, $4  }
0x1c: {  	[tilespmem:s23+$0x1B0] =	vst v0  }
0x1d: {  	[tilespmem:s23+$0x1C0] =	vst v0  }
0x1e: {  	[tilespmem:s23+$0x1D0] =	vst v0  }
0x1f: {  	[tilespmem:s23+$0x1E0] =	vst v0;
	s23 =	sshra.s32 s24, $0x2;
	s24 =	sadd.s32 $0x200, s24  }
0x20: {  	[tilespmem:s23+$0x1F0] =	vst v0  }
0x21: {  	[tilespmem:s23+$0x180] =	vst v0  }
0x22: {  	[tilespmem:s23+$0x190] =	vst v0  }
0x23: {  	[tilespmem:s23+$0x1A0] =	vst v0  }
0x24: {  	[tilespmem:s23+$0x1B0] =	vst v0  }
0x25: {  	[tilespmem:s23+$0x1C0] =	vst v0  }
0x26: {  	[tilespmem:s23+$0x1D0] =	vst v0  }
0x27: {  	[tilespmem:s23+$0x1E0] =	vst v0  }
0x28: {  	[spmem:s10] =	stream.linear.scatter [tilespmem:s17], [sflag:$0x2], $0x4000, $0x38;
	[tilespmem:$0x17D80] =	vst v63  }
0x29: {  	_ =	swait.ge [sflag:s18], $0x4000  }
0x2a: {  	[sflag:s18] =	ssyncset.done $0x0  }
0x2b: {  	[sflag:s18] =	ssyncadd.s32 $0xFFFFC000  }
0x2c: {  	[spmem:s11] =	stream.linear.scatter [tilespmem:s17], [sflag:$0x2], $0x4000, $0x38;
	[tilespmem:$0x17D80] =	vst v63  }
0x2d: {  	_ =	swait.ge [sflag:s18], $0x4000  }
0x2e: {  	[sflag:s18] =	ssyncset.done $0x0  }
0x2f: {  	[sflag:s18] =	ssyncadd.s32 $0xFFFFC000  }
0x30: {  	[spmem:s12] =	stream.linear.scatter [tilespmem:s17], [sflag:$0x2], $0x4000, $0x38;
	[tilespmem:$0x17D80] =	vst v63  }
0x31: {  	_ =	swait.ge [sflag:s18], $0x4000  }
0x32: {  	[sflag:s18] =	ssyncset.done $0x0  }
0x33: {  	[sflag:s18] =	ssyncadd.s32 $0xFFFFC000  }
0x34: {  	[spmem:s13] =	stream.linear.scatter [tilespmem:s17], [sflag:$0x2], $0x4000, $0x38;
	[tilespmem:$0x17D80] =	vst v63  }
0x35: {  	_ =	swait.ge [sflag:s18], $0x4000  }
0x36: {  	[sflag:s18] =	ssyncset.done $0x0  }
0x37: {  	[sflag:s18] =	ssyncadd.s32 $0xFFFFC000  }
0x38: {  	[spmem:s14] =	stream.linear.scatter [tilespmem:s17], [sflag:$0x2], $0x3C00, $0x38;
	[tilespmem:$0x17D80] =	vst v63  }
.Ltmp3:
0x39: {  	_ =	swait.ge [sflag:s18], $0x3C00;
	(pc) =	sbr.rel .LBB2_4-.Ltmp3, $4  }
0x3a: {  	[sflag:s18] =	ssyncset.done $0x0  }
0x3b: {  	[sflag:s18] =	ssyncadd.s32 $0xFFFFC400  }
0x3c: {  	[bflag:$0x0] =	sbarrier.arrive $0xFFFF  }
0x3d: {  	s23 =	simm.s32 $0x0  }
.LBB2_8:
0x3e: {  	s23 =	sadd.s32 $0x1, s23  }
0x3f: {  	p0 =	sne.s32 s23, $0x4F  }
.Ltmp4:
0x40: {  	_ = 	snop;
	(pc) =	sbr.rel @!p0 .LBB2_9-.Ltmp4, $1  }
0x41: {  	_ =	sdelay $0x3  }
.LBB2_4:
0x42: {  	s24 =	sshll.u32 s23, $0x5  }
0x43: {  	s24 =	sor.u32 s9, s24  }
0x44: {  	p0 =	sgt.u32 s24, $0x9C3  }
.Ltmp5:
0x45: {  	_ = 	snop;
	(pc) =	sbr.rel @p0 .LBB2_8-.Ltmp5, $1  }
0x46: {  	_ =	sdelay $0x3  }
0x47: {  	s24 =	sor.u32 s5, s24  }
0x48: {  	s24 =	sshll.u32 s24, $0x4  }
0x49: {  	s26 =	simm.s32 $0x0;
	s25 =	sadd.s32 s7, s24  }
0x4a: {  	[tilespmem:s26], [sflag:$0x3] =	stream.linear.gather [hbm4b:s25+s26], $0x80, $0x38;
	[tilespmem:$0x17D80] =	vst v63  }
0x4b: {  	_ =	swait.ge [sflag:s19], $0x80  }
0x4c: {  	[sflag:s19] =	ssyncset.done $0x0  }
0x4d: {  	s31 =	sadd.s32 s8, s24;
	[sflag:s19] =	ssyncadd.s32 $0xFFFFFF80  }
0x4e: {  	[tilespmem:s20], [sflag:$0x3] =	stream.linear.gather [hbm4b:s31+s26], $0x80, $0x38;
	[tilespmem:$0x17D80] =	vst v63  }
0x4f: {  	_ =	swait.ge [sflag:s19], $0x80  }
0x50: {  	[sflag:s19] =	ssyncset.done $0x0  }
0x51: {  	s24 =	sadd.s32 s2, s24;
	[sflag:s19] =	ssyncadd.s32 $0xFFFFFF80  }
0x52: {  	[tilespmem:s21], [sflag:$0x3] =	stream.linear.gather [hbm4b:s24+s26], $0x80, $0x38;
	[tilespmem:$0x17D80] =	vst v63  }
0x53: {  	_ =	swait.ge [sflag:s19], $0x80  }
0x54: {  	[sflag:s19] =	ssyncset.done $0x0  }
0x55: {  	[sflag:s19] =	ssyncadd.s32 $0xFFFFFF80  }
0x56: {  	[tilespmem:s17], [sflag:$0x1] =	stream.indirect.gather [hbm4b:s1+s20], $0x80, s26, s20, $0xb8;
	[tilespmem:$0x17D80] =	vst v63  }
0x57: {  	_ =	swait.ge [sflag:s22], $0x4000  }
0x58: {  	v1 =	vmov s26;
	[sflag:s22] =	ssyncset.done $0x0  }
0x59: {  	s24 =	simm.s32 $0x1C0;
	[sflag:s22] =	ssyncadd.s32 $0xFFFFC000  }
0x5a: {  	v5 =	vld [tilespmem:s24+$0x30]  }
0x5b: {  	v8 =	vld [tilespmem:s24+$0x10]  }
0x5c: {  	v6 =	vld [tilespmem:s24+$0xFFFFFFC0]  }
0x5d: {  	v2 =	vld.idx.msk [tilespmem:v1+s21+$0x0], $0xffff  }
0x5e: {  	v10 =	vld [tilespmem:s24+$0xFFFFFFE0]  }
0x5f: {  	v1 =	vld [tilespmem:s24+$0xFFFFFFF0]  }
0x60: {  	v3 =	vld [tilespmem:s24+$0x20]  }
0x61: {  	v4 =	vld [tilespmem:s24+$0xFFFFFFD0]  }
0x62: {  	v9 =	vmul.f32 v5, v2;
	v5 =	vld [tilespmem:s24+$0x0]  }
0x63: {  	v7 =	vmul.f32 v6, v2  }
0x64: {  	s25 =	simm.s32 $0x1;
	s26 =	simm.s32 $0x1C0;
	v6 =	vmul.f32 v10, v2;
	v8 =	vmul.f32 v8, v2  }
.LBB2_6:
0x65: {  	p0 =	sne.s32 s25, $0x7F  }
0x66: {  	v4 =	vmul.f32 v4, v2;
	v3 =	vmul.f32 v3, v2;
	[tilespmem:s24+$0x30] =	vst v9;
	s26 =	sadd.s32 $0x80, s26;
	s28 =	smov.u32 s25;
	s25 =	sadd.s32 $0x1, s25  }
0x67: {  	[tilespmem:s24+$0xFFFFFFC0] =	vst v7;
	v7 =	vmul.f32 v1, v2;
	v2 =	vmul.f32 v5, v2  }
0x68: {  	[tilespmem:s24+$0x10] =	vst v8  }
0x69: {  	v5 =	vmov s28;
	[tilespmem:s24+$0xFFFFFFE0] =	vst v6  }
0x6a: {  	v1 =	vld [tilespmem:s26+$0xFFFFFFF0];
	[tilespmem:s24+$0xFFFFFFF0] =	vst v7  }
0x6b: {  	v6 =	vld [tilespmem:s26+$0x30];
	[tilespmem:s24+$0x0] =	vst v2  }
0x6c: {  	v8 =	vld [tilespmem:s26+$0x10];
	[tilespmem:s24+$0x20] =	vst v3  }
0x6d: {  	v7 =	vld [tilespmem:s26+$0xFFFFFFC0];
	[tilespmem:s24+$0xFFFFFFD0] =	vst v4;
	s24 =	smov.u32 s26  }
0x6e: {  	v2 =	vld.idx.msk [tilespmem:v5+s21+$0x0], $0xffff  }
0x6f: {  	v10 =	vld [tilespmem:s26+$0xFFFFFFE0]  }
0x70: {  	v3 =	vld [tilespmem:s26+$0x20]  }
.Ltmp6:
0x71: {  	v4 =	vld [tilespmem:s26+$0xFFFFFFD0];
	(pc) =	sbr.rel @p0 .LBB2_6-.Ltmp6, $3  }
0x72: {  	v5 =	vld [tilespmem:s26+$0x0];
	_ =	sdelay $0x1  }
0x73: {  	v7 =	vmul.f32 v7, v2;
	v9 =	vmul.f32 v6, v2  }
0x74: {  	v8 =	vmul.f32 v8, v2;
	v6 =	vmul.f32 v10, v2  }
0x75: {  	[tilespmem:s24+$0x30] =	vst v9  }
0x76: {  	[tilespmem:s24+$0xFFFFFFC0] =	vst v7  }
0x77: {  	v1 =	vmul.f32 v1, v2;
	[tilespmem:s24+$0x10] =	vst v8  }
0x78: {  	v3 =	vmul.f32 v3, v2;
	[tilespmem:s24+$0xFFFFFFE0] =	vst v6  }
0x79: {  	v5 =	vmul.f32 v5, v2;
	[tilespmem:s24+$0xFFFFFFF0] =	vst v1  }
0x7a: {  	v1 =	vmul.f32 v4, v2;
	[tilespmem:s24+$0x20] =	vst v3  }
0x7b: {  	[tilespmem:s24+$0x0] =	vst v5  }
.Ltmp7:
0x7c: {  	[tilespmem:s24+$0xFFFFFFD0] =	vst v1;
	(pc) =	sbr.rel .LBB2_8-.Ltmp7, $4  }
0x7d: {  	[spmem:s3] =	stream.indirect.scatter.add.f32 [tilespmem:s17], [sflag:$0x2], $0x80, s20, s20, $0xb8;
	[tilespmem:$0x17D80] =	vst v63  }
0x7e: {  	_ =	swait.ge [sflag:s18], $0x4000  }
0x7f: {  	[sflag:s18] =	ssyncset.done $0x0  }
0x80: {  	[sflag:s18] =	ssyncadd.s32 $0xFFFFC000  }
.LBB2_10:
0x81: {  	_ =	sfence.sel $0x180000  }
0x82: {  	[bflag:$0x0] =	sbarrier.arrive $0xFFFF  }
0x83: {  	p0 =	sne.s32 s4, $0x0;
	_ =	strace $0x9000004D  }
0x84: {  	s0 =	sadd.s32 @!p0 $0x100000, s0;
	[bflag:$0x2] =	sbarrier.arrive $0xFFFF  }
0x85: {  	[sflag:s0] =	ssyncadd.tile.s32 @!p0 $0x1;
	_ =	shalt  }
.Lfunc_end2:
_tile_overlayer_lowered:
.L_overlay_start_2:
0x86: {  	(tag) =	ssettag $0x2  }
0x87: {  	s0 =	rddreg [dreg:$0x0];
	s2 =	stileid.u32  }
0x88: {  	s1 =	rddreg [dreg:$0x1];
	p0 =	sne.s32 s2, $0x0  }
0x89: {  	s3 =	rddreg [dreg:$0x2];
	[bflag:$0x3] =	sbarrier.arrive $0xFFFF;
	s2 =	simm.s32 @!p0 $0x1C02  }
0x8a: {  	[timem:s3], [sflag:s2] =	dma.local @!p0 [hbm:s0], s1  }
0x8b: {  	s0 =	simm.s32 @!p0 $0x2  }
0x8c: {  	_ =	swait.ge @!p0 [sflag:s0], s1  }
0x8d: {  	s1 =	ssub.s32 @!p0 $0x0, s1;
	[sflag:s0] =	ssyncset.done @!p0 $0x0  }
0x8e: {  	[sflag:s0] =	ssyncadd.s32 @!p0 s1  }
0x8f: {  	[bflag:$0x3] =	sbarrier.arrive $0xFFFF  }
0x90: {  	_ =	shalt  }

// kernel: kernel.8.cloned.1.call-start
scs
__scs_entry_jumppad:
0x0: {  	(pc) =	sbr.rel $0x88, $3  }
0x1: {  	(tag) =	ssettag $0x0;
	lr =	simm.s32 $0x1  }
0x2: {  	[smem:$0x3F9A] =	sst lr;
	_ =	strace $0xD0000000  }
0x3: {  	_ = 	snop  }
0x4: {  	_ = 	snop  }
0x5: {  	_ = 	snop  }
0x6: {  	_ = 	snop  }
0x7: {  	_ = 	snop  }
__scs_overlays_trampoline_lowered:
0x8: {  	[smem:$0x3FA9] =	sst s0  }
0x9: {  	[smem:$0x3FAA] =	sst s1  }
0xa: {  	[smem:$0x3FAB] =	sst s2  }
0xb: {  	[smem:$0x3FAC] =	sst s3  }
0xc: {  	[smem:$0x3FAD] =	sst s4  }
0xd: {  	[smem:$0x3FAE] =	sst s5  }
0xe: {  	[smem:$0x3FAF] =	sst s6  }
0xf: {  	[smem:$0x3FB0] =	sst s7  }
0x10: {  	[smem:$0x3FB1] =	sst s8  }
0x11: {  	[smem:$0x3FB2] =	sst s9;
	s0 =	simm.s32 @!p0 $0x0  }
0x12: {  	s1 =	sld [smem:$0x3F98];
	s0 =	simm.s32 @p0 $0x1  }
0x13: {  	[smem:$0x3FB3] =	sst s0;
	s0 =	simm.s32 @!p1 $0x0  }
0x14: {  	s2 =	sld [smem:$0x3F97];
	s0 =	simm.s32 @p1 $0x1  }
0x15: {  	[smem:$0x3FB4] =	sst s0;
	s0 =	simm.s32 @!p2 $0x0  }
0x16: {  	s3 =	sld [smem:$0x3FDB];
	s0 =	simm.s32 @p2 $0x1  }
0x17: {  	s4 =	simm.s32 $0x1BF5;
	[smem:$0x3FB6] =	sst s0  }
0x18: {  	s0 =	sld [smem:$0x3F99];
	_ =	swait.ge [sflag:s4], $0x0  }
0x19: {  	s7 =	sld [smem:$0x3F9A]  }
0x1a: {  	s8 =	sadd.s32 $0xFFFFE003, lr  }
0x1b: {  	s9 =	sadd.s32 $0xFFFFFEF7, lr;
	s5 =	simm.s32 $0xFFFFFFFF;
	p2 =	slt.u32 s8, $0xFFFFF086  }
0x1c: {  	p1 =	slt.u32 s9, $0xF7A;
	s5 =	simm.s32 @!p2 $0x0  }
0x1d: {  	s5 =	simm.s32 @p1 $0x1;
	p0 =	seq.s32 s7, s2  }
0x1e: {  	s7 =	smul.u32 @!p0 $0xF7A, s2;
	p2 =	seq.s32 @!p0 s5, $0x0  }
0x1f: {  	s9 =	smul.u32 $0xF7A, s1;
	s8 =	simm.s32 @!p0 $0x1BF5;
	p2 =	por !p2, p0  }
0x20: {  	[sflag:s8] =	ssyncset.s32 @!p0 $0xFFFFF086;
	s6 =	sadd.s32 @!p0 s3, s7;
	s7 =	simm.s32 @!p0 $0x108  }
0x21: {  	s3 =	sadd.s32 s3, s9;
	s6 =	sadd.s32 @!p0 $0x88, s6;
	s7 =	simm.s32 @p2 $0x1082  }
0x22: {  	[simem:s7], [sflag:s8] =	dma.local @!p0 [hbm:s6], $0xF7A  }
0x23: {  	s9 =	sor.u32 $0xD0000000, s2;
	s6 =	simm.s32 $0x108;
	_ =	swait.ge @!p0 [sflag:s8], $0x0  }
0x24: {  	s3 =	sadd.s32 $0x88, s3;
	s6 =	simm.s32 @!p1 $0x1082;
	[sflag:s4] =	ssyncset.s32 $0xFFFFF086  }
0x25: {  	[simem:s6], [sflag:s4] =	dma.local [hbm:s3], $0xF7A  }
0x26: {  	[smem:$0x3F9A] =	sst s1;
	(tag) =	ssettag s2;
	_ =	strace s9  }
0x27: {  	s1 =	sld [smem:$0x3FAA]  }
0x28: {  	s2 =	sld [smem:$0x3FAB]  }
0x29: {  	s4 =	sld [smem:$0x3FAD]  }
0x2a: {  	p0 =	seq.s32 s5, $0x0;
	s5 =	sld [smem:$0x3FAE]  }
0x2b: {  	s6 =	sld [smem:$0x3FAF]  }
0x2c: {  	s7 =	sld [smem:$0x3FB0]  }
0x2d: {  	s3 =	simm.s32 $0x108;
	s8 =	sld [smem:$0x3FB1]  }
0x2e: {  	s3 =	simm.s32 @!p0 $0x1082;
	s9 =	sld [smem:$0x3FB2]  }
0x2f: {  	lr =	sadd.s32 s0, s3;
	s0 =	sld [smem:$0x3FA9]  }
0x30: {  	s3 =	sld [smem:$0x3FAC]  }
0x31: {  	[smem:$0x3FB5] =	sst s10  }
0x32: {  	s10 =	sld [smem:$0x3FB3];
	_ =	sdelay $0x3  }
0x33: {  	p0 =	seq.s32 s10, $0x1;
	s10 =	sld [smem:$0x3FB5];
	_ =	sdelay $0x3  }
0x34: {  	[smem:$0x3FB5] =	sst s10  }
0x35: {  	s10 =	sld [smem:$0x3FB4];
	_ =	sdelay $0x3  }
0x36: {  	p1 =	seq.s32 s10, $0x1;
	s10 =	sld [smem:$0x3FB5];
	_ =	sdelay $0x3  }
0x37: {  	[smem:$0x3FB5] =	sst s10  }
0x38: {  	s10 =	sld [smem:$0x3FB6]  }
0x39: {  	_ = 	snop;
	(pc) =	sbr.ind lr, $3  }
0x3a: {  	_ = 	snop  }
0x3b: {  	_ = 	snop  }
0x3c: {  	p2 =	seq.s32 s10, $0x1;
	s10 =	sld [smem:$0x3FB5]  }
0x3d: {  	_ =	shalt  }
0x3e: {  	_ =	shalt  }
0x3f: {  	_ =	shalt  }
0x40: {  	_ =	shalt  }
0x41: {  	_ =	shalt  }
0x42: {  	_ =	shalt  }
0x43: {  	_ =	shalt  }
0x44: {  	_ =	shalt  }
0x45: {  	_ =	shalt  }
0x46: {  	_ =	shalt  }
0x47: {  	_ =	shalt  }
0x48: {  	_ =	shalt  }
0x49: {  	_ =	shalt  }
0x4a: {  	_ =	shalt  }
0x4b: {  	_ =	shalt  }
0x4c: {  	_ =	shalt  }
0x4d: {  	_ =	shalt  }
0x4e: {  	_ =	shalt  }
0x4f: {  	_ =	shalt  }
0x50: {  	_ =	shalt  }
0x51: {  	_ =	shalt  }
0x52: {  	_ =	shalt  }
0x53: {  	_ =	shalt  }
0x54: {  	_ =	shalt  }
0x55: {  	_ =	shalt  }
0x56: {  	_ =	shalt  }
0x57: {  	_ =	shalt  }
0x58: {  	_ =	shalt  }
0x59: {  	_ =	shalt  }
0x5a: {  	_ =	shalt  }
0x5b: {  	_ =	shalt  }
0x5c: {  	_ =	shalt  }
0x5d: {  	_ =	shalt  }
0x5e: {  	_ =	shalt  }
0x5f: {  	_ =	shalt  }
0x60: {  	_ =	shalt  }
0x61: {  	_ =	shalt  }
0x62: {  	_ =	shalt  }
0x63: {  	_ =	shalt  }
0x64: {  	_ =	shalt  }
0x65: {  	_ =	shalt  }
0x66: {  	_ =	shalt  }
0x67: {  	_ =	shalt  }
0x68: {  	_ =	shalt  }
0x69: {  	_ =	shalt  }
0x6a: {  	_ =	shalt  }
0x6b: {  	_ =	shalt  }
0x6c: {  	_ =	shalt  }
0x6d: {  	_ =	shalt  }
0x6e: {  	_ =	shalt  }
0x6f: {  	_ =	shalt  }
0x70: {  	_ =	shalt  }
0x71: {  	_ =	shalt  }
0x72: {  	_ =	shalt  }
0x73: {  	_ =	shalt  }
0x74: {  	_ =	shalt  }
0x75: {  	_ =	shalt  }
0x76: {  	_ =	shalt  }
0x77: {  	_ =	shalt  }
0x78: {  	_ =	shalt  }
0x79: {  	_ =	shalt  }
0x7a: {  	_ =	shalt  }
0x7b: {  	_ =	shalt  }
0x7c: {  	_ =	shalt  }
0x7d: {  	_ =	shalt  }
0x7e: {  	_ =	shalt  }
0x7f: {  	_ =	shalt  }
0x80: {  	_ =	shalt  }
0x81: {  	_ =	shalt  }
0x82: {  	_ =	shalt  }
0x83: {  	_ =	shalt  }
0x84: {  	_ =	shalt  }
0x85: {  	_ =	shalt  }
0x86: {  	_ =	shalt  }
0x87: {  	_ =	shalt  }
.Lfunc_end0:
.L_simem_size_0:
called_computation_lowered:
.L_overlay_start_0:
0x88: {  	s2 =	sld [smem:$0x3FD9]  }
0x89: {  	s3 =	sld [smem:$0x3FFE];
	_ =	sdelay $0x1  }
0x8a: {  	s1 =	srdreg.scid  }
0x8b: {  	s0 =	sand.u32 $0x1, s1  }
0x8c: {  	s17 =	sshll.u32 s0, $0xA;
	s2 =	sadd.s32 s3, s2  }
0x8d: {  	s2 =	sadd.s32 s2, s17  }
0x8e: {  	[smem:$0x3FC1] =	sst s2  }
0x8f: {  	_ = 	snop  }
0x90: {  	s2 =	sld [smem:$0x3FC7];
	(tm) =	ssettm $0x1  }
0x91: {  	s18 =	sld [smem:$0x3FFB];
	_ =	sdelay $0x3  }
0x92: {  	_ =	strace s18  }
0x93: {  	s3 =	sld [smem:$0x3FFC];
	_ =	sdelay $0x3  }
0x94: {  	_ =	strace s3  }
0x95: {  	s3 =	sld [smem:$0x3FFD];
	_ =	sdelay $0x3  }
0x96: {  	_ =	strace s3  }
0x97: {  	_ =	strace $0x8FFFFFFF  }
0x98: {  	s19 =	sld [smem:$0x3FDB];
	_ =	sdelay $0x1  }
0x99: {  	s4 =	simm.s32 $_scs_section_size  }
0x9a: {  	s5 =	simm.s32 $_size__tile_overlayer_lowered;
	s6 =	simm.s32 $_tile_overlayer_lowered  }
0x9b: {  	s22 =	simm.s32 $0x1BFF;
	s21 =	sshll.u32 s6, $0x1;
	s3 =	sadd.s32 s4, s19  }
0x9c: {  	s7 =	simm.s32 $0x0;
	s20 =	sshll.u32 s5, $0x1;
	s5 =	sadd.s32 s21, s3  }
0x9d: {  	[timem:s7], [sflag:s22] =	dma.local [hbm:s5], s20  }
0x9e: {  	_ =	swait.ge [sflag:s22], s20  }
0x9f: {  	s4 =	ssub.s32 $0x0, s20;
	[sflag:s22] =	ssyncset.done $0x0  }
0xa0: {  	[sflag:s22] =	ssyncadd.s32 s4;
	_ =	sdelay $0x1  }
0xa1: {  	s23 =	simm.s32 $0x1B8B  }
0xa2: {  	_ =	swait.ge [sflag:s23], $0x1  }
0xa3: {  	[sflag:s23] =	ssyncset.done $0x0  }
0xa4: {  	s25 =	simm.s32 $0x1B8E;
	s24 =	sld [smem:$0x3FFE];
	[sflag:s23] =	ssyncadd.s32 $0xFFFFFFFF  }
0xa5: {  	s26 =	simm.s32 $execute0_lowered;
	[smem:$0x3FD2] =	sst s25  }
0xa6: {  	s5 =	sshll.u32 s26, $0x1;
	_ =	strace $0x80000046;
	[dreg:$0x1] =	wrdreg $0xFFFFFFFF  }
0xa7: {  	s28 =	simm.s32 $_size_execute0_lowered;
	s3 =	sadd.s32 s3, s5;
	[dreg:$0x0] =	wrdreg $0x0  }
0xa8: {  	s5 =	sshll.u32 s28, $0x1;
	[dreg:$0x2] =	wrdreg s3  }
0xa9: {  	[dreg:$0x3] =	wrdreg s5  }
0xaa: {  	[dreg:$0x4] =	wrdreg $0xC0  }
0xab: {  	_ =	task [dreg:s7], $0x5FFFF  }
0xac: {  	[dreg:$0x1] =	wrdreg $0xFFFFFFFF  }
0xad: {  	[dreg:$0x0] =	wrdreg $0x60  }
0xae: {  	[dreg:$0x2] =	wrdreg s24  }
0xaf: {  	[dreg:$0x3] =	wrdreg s2  }
0xb0: {  	[dreg:$0x4] =	wrdreg $0x41000  }
0xb1: {  	[dreg:$0x5] =	wrdreg $0x9  }
0xb2: {  	_ =	task.clear_ibuf [dreg:s7], $0x6FFFF;
	_ =	strace $0x90000046  }
0xb3: {  	s29 =	simm.s32 $0x9;
	_ =	strace $0x80000048  }
0xb4: {  	_ =	swait.ge [sflag:s29], $0x1  }
0xb5: {  	[sflag:s29] =	ssyncadd.s32 $0xFFFFFFFF  }
0xb6: {  	_ =	strace $0x90000048  }
0xb7: {  	_ =	sfence  }
0xb8: {  	s30 =	sld [smem:$0x0];
	_ =	sdelay $0x2  }
0xb9: {  	s31 =	sshll.u32 s1, $0xD;
	s1 =	sshrl.u32 s1, $0x2  }
0xba: {  	s3 =	sand.u32 $0x4000, s31;
	s1 =	sadd.s32 s1, s30  }
0xbb: {  	s0 =	sor.u32 s3, s0;
	s1 =	sshll.u32 s1, $0x11  }
0xbc: {  	s0 =	sor.u32 s1, s0  }
0xbd: {  	s0 =	sadd.s32 $0x8F2B, s0  }
0xbe: {  	[sflag:s0] =	ssyncadd.remote.s32 $0x1  }
0xbf: {  	_ =	sfence.sel $0xFFFF  }
0xc0: {  	[dreg:$0x0] =	wrdreg $0xFFFFFFFF;
	(pc) =	sbr.abs _section_cstart, $3  }
0xc1: {  	[dreg:$0x1] =	wrdreg $0xFFFFFFFF  }
0xc2: {  	_ =	task.clear_ibuf [dreg:s7], $0x2FFFF;
	_ =	strace $0x9FFFFFFF  }
0xc3: {  	(tm) =	ssettm $0x7FFFFFFF  }
tec
execute0_lowered:
.L_overlay_start_1:
0x0: {  	(tag) =	ssettag $0x1  }
0x1: {  	s7 =	rddreg [dreg:$0x0]  }
0x2: {  	s1 =	rddreg [dreg:$0x1]  }
0x3: {  	s2 =	rddreg [dreg:$0x2]  }
0x4: {  	s3 =	srdreg.scid;
	s0 =	rddreg [dreg:$0x3];
	s5 =	simm.s32 $0x0  }
0x5: {  	s15 =	simm.s32 $0x100;
	s16 =	simm.s32 $0x1;
	s17 =	simm.s32 $0x2  }
0x6: {  	s18 =	simm.s32 $0x80;
	s21 =	simm.s32 $0x0;
	s4 =	sand.u32 $0x1, s3  }
0x7: {  	s25 =	simm.s32 $0x0;
	s3 =	stileid.u32;
	s8 =	smul.u32 $0x13C000, s4  }
0x8: {  	[smem:$0x7FF] =	sst s5;
	s6 =	sadd.s32 $0xC600, s7;
	s9 =	smul.u32 $0x13C00, s3  }
0x9: {  	_ =	strace $0x80000047;
	s31 =	ssub.s32 $0x2, s4;
	s19 =	sshll.u32 s3, $0x6  }
0xa: {  	s10 =	smul.u32 $0x4F000, s3;
	s11 =	sshrl.u32 s31, $0x1;
	s19 =	sor.u32 $0x1C01, s19  }
.Ltmp0:
0xb: {  	s8 =	sadd.s32 s9, s8;
	s14 =	ssub.s32 s31, s11;
	(pc) =	sbr.rel .LBB2_1-.Ltmp0, $4  }
0xc: {  	s10 =	sshrl.u32 s10, $0x2;
	s8 =	sshrl.u32 s8, $0x3;
	s14 =	smax.u32 s14, $0x1  }
0xd: {  	s13 =	sadd.s32 s8, s7;
	s7 =	sadd.s32 s10, s2;
	s8 =	sshll.u32 s3, $0x1  }
0xe: {  	s9 =	sadd.s32 $0x4000, s7;
	s10 =	sadd.s32 $0x8000, s7;
	s11 =	sadd.s32 $0xC000, s7  }
0xf: {  	v0 =	vimm.f32 $0.0e+00;
	s12 =	sadd.s32 $0x10000, s7;
	s13 =	sadd.s32 $0x16400, s13;
	s20 =	sshrl.u32 s7, $0x3  }
.LBB2_9:
0x10: {  	s21 =	sadd.s32 $0x1, s21  }
0x11: {  	p0 =	sne.s32 s21, s14  }
.Ltmp1:
0x12: {  	[bflag:$0x0] =	sbarrier.arrive $0xFFFF;
	(pc) =	sbr.rel @!p0 .LBB2_10-.Ltmp1, $4  }
0x13: {  	[hbm:s13], [sflag:s19] =	dma.local [spmem:s20], $0x2780  }
0x14: {  	_ =	swait.ge [sflag:s16], $0x2780  }
0x15: {  	[sflag:s16] =	ssyncset.done $0x0  }
0x16: {  	[sflag:s16] =	ssyncadd.s32 $0xFFFFD880  }
.LBB2_1:
0x17: {  	s22 =	simm.s32 $0x200;
	s23 =	simm.s32 $0x0  }
.LBB2_2:
0x18: {  	p0 =	sne.s32 s22, $0xFE00;
	[tilespmem:s23+$0x100] =	vst v0;
	s23 =	smov.u32 s22;
	s22 =	sadd.s32 $0x200, s22  }
.Ltmp2:
0x19: {  	(pc) =	sbr.rel @p0 .LBB2_2-.Ltmp2, $2  }
0x1a: {  	_ =	sdelay $0x2  }
0x1b: {  	s23 =	sshra.s32 s23, $0x2  }
0x1c: {  	[tilespmem:s23+$0x100] =	vst v0  }
0x1d: {  	[spmem:s7] =	stream.linear.scatter [tilespmem:s15], [sflag:$0x1], $0x4000, $0x38;
	[tilespmem:$0x6880] =	vst v63  }
0x1e: {  	_ =	swait.ge [sflag:s16], $0x4000  }
0x1f: {  	[sflag:s16] =	ssyncset.done $0x0  }
0x20: {  	[sflag:s16] =	ssyncadd.s32 $0xFFFFC000  }
0x21: {  	[spmem:s9] =	stream.linear.scatter [tilespmem:s15], [sflag:$0x1], $0x4000, $0x38;
	[tilespmem:$0x6880] =	vst v63  }
0x22: {  	_ =	swait.ge [sflag:s16], $0x4000  }
0x23: {  	[sflag:s16] =	ssyncset.done $0x0  }
0x24: {  	[sflag:s16] =	ssyncadd.s32 $0xFFFFC000  }
0x25: {  	[spmem:s10] =	stream.linear.scatter [tilespmem:s15], [sflag:$0x1], $0x4000, $0x38;
	[tilespmem:$0x6880] =	vst v63  }
0x26: {  	_ =	swait.ge [sflag:s16], $0x4000  }
0x27: {  	[sflag:s16] =	ssyncset.done $0x0  }
0x28: {  	[sflag:s16] =	ssyncadd.s32 $0xFFFFC000  }
0x29: {  	[spmem:s11] =	stream.linear.scatter [tilespmem:s15], [sflag:$0x1], $0x4000, $0x38;
	[tilespmem:$0x6880] =	vst v63  }
0x2a: {  	_ =	swait.ge [sflag:s16], $0x4000  }
0x2b: {  	[sflag:s16] =	ssyncset.done $0x0  }
0x2c: {  	[sflag:s16] =	ssyncadd.s32 $0xFFFFC000  }
0x2d: {  	[spmem:s12] =	stream.linear.scatter [tilespmem:s15], [sflag:$0x1], $0x3C00, $0x38;
	[tilespmem:$0x6880] =	vst v63  }
.Ltmp3:
0x2e: {  	_ =	swait.ge [sflag:s16], $0x3C00;
	(pc) =	sbr.rel .LBB2_4-.Ltmp3, $4  }
0x2f: {  	[sflag:s16] =	ssyncset.done $0x0  }
0x30: {  	[sflag:s16] =	ssyncadd.s32 $0xFFFFC400  }
0x31: {  	[bflag:$0x0] =	sbarrier.arrive $0xFFFF  }
0x32: {  	s22 =	simm.s32 $0x0  }
.LBB2_8:
0x33: {  	s22 =	sadd.s32 $0x1, s22  }
0x34: {  	p0 =	sne.s32 s22, $0x4F  }
.Ltmp4:
0x35: {  	_ = 	snop;
	(pc) =	sbr.rel @!p0 .LBB2_9-.Ltmp4, $1  }
0x36: {  	_ =	sdelay $0x3  }
.LBB2_4:
0x37: {  	s23 =	sshll.u32 s22, $0x5  }
0x38: {  	s23 =	sor.u32 s8, s23  }
0x39: {  	p0 =	sgt.u32 s23, $0x9C3  }
.Ltmp5:
0x3a: {  	_ = 	snop;
	(pc) =	sbr.rel @p0 .LBB2_8-.Ltmp5, $1  }
0x3b: {  	_ =	sdelay $0x3  }
0x3c: {  	s23 =	sor.u32 s4, s23  }
0x3d: {  	s23 =	sshll.u32 s23, $0x4  }
0x3e: {  	s24 =	sadd.s32 s6, s23  }
0x3f: {  	[tilespmem:s25], [sflag:$0x2] =	stream.linear.gather [hbm4b:s24+s25], $0x80, $0x38;
	[tilespmem:$0x6880] =	vst v63  }
0x40: {  	_ =	swait.ge [sflag:s17], $0x80  }
0x41: {  	[sflag:s17] =	ssyncset.done $0x0  }
0x42: {  	v1 =	vmov s25;
	s23 =	sadd.s32 s1, s23;
	[sflag:s17] =	ssyncadd.s32 $0xFFFFFF80  }
0x43: {  	[tilespmem:s18], [sflag:$0x2] =	stream.linear.gather [hbm4b:s23+s25], $0x80, $0x38;
	[tilespmem:$0x6880] =	vst v63  }
0x44: {  	_ =	swait.ge [sflag:s17], $0x80  }
0x45: {  	[sflag:s17] =	ssyncset.done $0x0  }
0x46: {  	[sflag:s17] =	ssyncadd.s32 $0xFFFFFF80  }
0x47: {  	s30 =	simm.s32 $0x1;
	v1 =	vld.idx.msk [tilespmem:v1+s18+$0x0], $0xffff  }
0x48: {  	v2 =	vmov s30;
	_ =	sdelay $0x2  }
0x49: {  	s23 =	simm.s32 $0x100  }
0x4a: {  	[tilespmem:s23+$0x0] =	vst v1  }
0x4b: {  	s31 =	simm.s32 $0x2;
	v1 =	vld.idx.msk [tilespmem:v2+s18+$0x0], $0xffff  }
0x4c: {  	s24 =	simm.s32 $0x3;
	v2 =	vmov s31  }
.LBB2_6:
0x4d: {  	p0 =	sne.s32 s24, $0x7F;
	_ =	sdelay $0x1  }
.Ltmp6:
0x4e: {  	s23 =	sadd.s32 $0x80, s23;
	(pc) =	sbr.rel @p0 .LBB2_6-.Ltmp6, $3  }
0x4f: {  	[tilespmem:s23+$0x0] =	vst v1  }
0x50: {  	v1 =	vld.idx.msk [tilespmem:v2+s18+$0x0], $0xffff;
	_ =	sdelay $0x1  }
0x51: {  	v2 =	vmov s24;
	s24 =	sadd.s32 $0x1, s24  }
0x52: {  	_ =	sdelay $0x1  }
0x53: {  	s23 =	sadd.s32 $0x80, s23  }
0x54: {  	[tilespmem:s23+$0x0] =	vst v1  }
0x55: {  	v1 =	vld.idx.msk [tilespmem:v2+s18+$0x0], $0xffff;
	_ =	sdelay $0x3  }
0x56: {  	s23 =	sadd.s32 $0x80, s23  }
.Ltmp7:
0x57: {  	[tilespmem:s23+$0x0] =	vst v1;
	(pc) =	sbr.rel .LBB2_8-.Ltmp7, $4  }
0x58: {  	[spmem:s2] =	stream.indirect.scatter.add.f32 [tilespmem:s15], [sflag:$0x1], $0x10, s5, s18, $0xb8;
	[tilespmem:$0x6880] =	vst v63  }
0x59: {  	_ =	swait.ge [sflag:s16], $0x800  }
0x5a: {  	[sflag:s16] =	ssyncset.done $0x0  }
0x5b: {  	[sflag:s16] =	ssyncadd.s32 $0xFFFFF800  }
.LBB2_10:
0x5c: {  	_ =	sfence.sel $0x180000  }
0x5d: {  	[bflag:$0x0] =	sbarrier.arrive $0xFFFF  }
0x5e: {  	p0 =	sne.s32 s3, $0x0;
	_ =	strace $0x90000047  }
0x5f: {  	s0 =	sadd.s32 @!p0 $0x100000, s0;
	[bflag:$0x2] =	sbarrier.arrive $0xFFFF  }
0x60: {  	[sflag:s0] =	ssyncadd.tile.s32 @!p0 $0x1;
	_ =	shalt  }
.Lfunc_end2:
_tile_overlayer_lowered:
.L_overlay_start_2:
0x61: {  	(tag) =	ssettag $0x2  }
0x62: {  	s0 =	rddreg [dreg:$0x0];
	s2 =	stileid.u32  }
0x63: {  	s1 =	rddreg [dreg:$0x1];
	p0 =	sne.s32 s2, $0x0  }
0x64: {  	s3 =	rddreg [dreg:$0x2];
	[bflag:$0x3] =	sbarrier.arrive $0xFFFF;
	s2 =	simm.s32 @!p0 $0x1C01  }
0x65: {  	[timem:s3], [sflag:s2] =	dma.local @!p0 [hbm:s0], s1  }
0x66: {  	s0 =	simm.s32 @!p0 $0x1  }
0x67: {  	_ =	swait.ge @!p0 [sflag:s0], s1  }
0x68: {  	s1 =	ssub.s32 @!p0 $0x0, s1;
	[sflag:s0] =	ssyncset.done @!p0 $0x0  }
0x69: {  	[sflag:s0] =	ssyncadd.s32 @!p0 s1  }
0x6a: {  	[bflag:$0x3] =	sbarrier.arrive $0xFFFF  }
0x6b: {  	_ =	shalt  }

</sc_bundles>
